<compile_context>
chip_gen: v7x
topology: tpu7x:2x2x1
jax: 0.10.2.dev20260603
libtpu: 0.0.44.dev20260713+nightly
codegen_flags: <defaults>
</compile_context>

<pallas_src>
import dataclasses

import jax
import jax.numpy as jnp
from jax import lax
from jax.experimental import pallas as pl
from jax.experimental.pallas import tpu as pltpu
from jax.experimental.pallas import tpu_sc as plsc

T = 4096
UP_LEN = T * 256
M = UP_LEN - 1
NC = 2
NS = 16
L = 16
NW = NC * NS
CHUNK = UP_LEN // NW
NVEC = CHUNK // L
NBLK = T // L

_mesh = plsc.VectorSubcoreMesh(core_axis_name="c", subcore_axis_name="s")


KCH = 8
CVEC = NVEC // KCH


def _sc_kernel(f0_hbm, out_hbm, f0_v, xv, yv, dv, rank_v, bs_v, offs_v, out_v,
               x1t, hinvt, b0t, cct, eet):
    wid = lax.axis_index("s") * NC + lax.axis_index("c")
    pltpu.sync_copy(f0_hbm, f0_v)
    iota = lax.iota(jnp.int32, L)
    zero_i = jnp.zeros((L,), jnp.int32)
    iota4095 = iota * jnp.int32(4095)
    lane0 = iota == 0

    @plsc.parallel_loop(jnp.int32(0), jnp.int32(NBLK), jnp.int32(1), unroll=4)
    def p1a(c):
        vals = f0_v[pl.ds(c * jnp.int32(L), L)]
        cnt = plsc.all_reduce_population_count(vals > 0.0)
        plsc.store_scatter(bs_v, [zero_i + c], cnt, mask=lane0)

    def p1b(c, carry):
        base = c * jnp.int32(L)
        v = bs_v[pl.ds(base, L)]
        inc = jnp.cumsum(v) + carry
        offs_v[pl.ds(base, L)] = inc - v
        return jnp.max(inc)

    n_v = lax.fori_loop(jnp.int32(0), jnp.int32(NBLK // L), p1b, jnp.int32(0))

    @plsc.parallel_loop(jnp.int32(0), jnp.int32(NBLK), jnp.int32(1), unroll=4)
    def p1c(c):
        base = c * jnp.int32(L)
        vals = f0_v[pl.ds(base, L)]
        voiced = vals > 0.0
        off = plsc.load_gather(offs_v, [zero_i + c])
        rank_inc = jnp.cumsum(voiced.astype(jnp.int32)) + off
        rank_v[pl.ds(base, L)] = rank_inc - 1
        idx = jnp.maximum(rank_inc - 1, 0)
        pos_f = (iota + base).astype(jnp.float32)
        plsc.store_scatter(xv, [idx], pos_f, mask=voiced)
        plsc.store_scatter(yv, [idx], vals, mask=voiced)

    def gat(ref, i_scalar):
        return plsc.load_gather(ref, [zero_i + i_scalar])

    base0 = wid * jnp.int32(CHUNK)
    nseg_sc = jnp.maximum(n_v - 2, 0)

    def q_of(i_s):
        p_s = i_s * jnp.int32(4095)
        hi_s = lax.shift_right_logical(p_s, jnp.int32(20))
        s_s = hi_s + (p_s & jnp.int32(M))
        return jnp.where(s_s >= M, hi_s + 1, hi_s)

    def seg_at(q_s):
        return jnp.clip(jnp.max(plsc.load_gather(rank_v, [zero_i + q_s])),
                        0, nseg_sc)

    slo_s = seg_at(q_of(base0))
    shi_s = seg_at(q_of(base0 + jnp.int32(CHUNK - 1)))
    b_lo = lax.shift_right_logical(slo_s, jnp.int32(4))
    b_hi = lax.shift_right_logical(shi_s + 1, jnp.int32(4)) + 1

    @plsc.parallel_loop(b_lo, b_hi, jnp.int32(1), unroll=1)
    def p2(c):
        base = c * jnp.int32(L)
        k = iota + base
        km1 = jnp.maximum(k - 1, 0)
        kp1 = jnp.minimum(k + 1, T - 1)
        xk = xv[pl.ds(base, L)]
        yk = yv[pl.ds(base, L)]
        xkm1 = plsc.load_gather(xv, [km1])
        xkp1 = plsc.load_gather(xv, [kp1])
        ykm1 = plsc.load_gather(yv, [km1])
        ykp1 = plsc.load_gather(yv, [kp1])
        dxk = xkp1 - xk
        dxkm1 = xk - xkm1
        dk = (ykp1 - yk) / dxk
        dkm1 = (yk - ykm1) / dxkm1
        w1 = 2.0 * dxk + dxkm1
        w2 = dxk + 2.0 * dxkm1
        mono = (dkm1 * dk) > 0.0
        skm1 = jnp.where(mono, dkm1, 1.0)
        sk = jnp.where(mono, dk, 1.0)
        hmean = (w1 + w2) / (w1 / skm1 + w2 / sk)
        dv[pl.ds(base, L)] = jnp.where(mono, hmean, 0.0)

    x0e = gat(xv, 0)
    x1e = gat(xv, 1)
    x2e = gat(xv, 2)
    y0e = gat(yv, 0)
    y1e = gat(yv, 1)
    y2e = gat(yv, 2)
    h0 = x1e - x0e
    h1 = x2e - x1e
    delta0 = (y1e - y0e) / h0
    delta1 = (y2e - y1e) / h1
    d0 = ((2.0 * h0 + h1) * delta0 - h0 * delta1) / (h0 + h1)
    mask0 = d0 * delta0 <= 0.0
    d0 = jnp.where(mask0, 0.0, d0)
    mask0b = (delta0 * delta1 < 0.0) & (~mask0)
    d0 = jnp.where(mask0b & (jnp.abs(d0) > 3.0 * jnp.abs(delta0)), 3.0 * delta0, d0)
    plsc.store_scatter(dv, [zero_i], d0, mask=lane0)

    m_i = jnp.maximum(n_v - 2, 0)
    mm1_i = jnp.maximum(n_v - 3, 0)
    xa = gat(xv, mm1_i)
    xb = gat(xv, jnp.minimum(mm1_i + 1, T - 1))
    xc = gat(xv, m_i)
    xd = gat(xv, jnp.minimum(m_i + 1, T - 1))
    ya = gat(yv, mm1_i)
    yb = gat(yv, jnp.minimum(mm1_i + 1, T - 1))
    yc = gat(yv, m_i)
    yd = gat(yv, jnp.minimum(m_i + 1, T - 1))
    hm2 = xb - xa
    hm1 = xd - xc
    dlast = (yd - yc) / hm1
    dlast2 = (yb - ya) / hm2
    dn = ((2.0 * hm1 + hm2) * dlast - hm1 * dlast2) / (hm1 + hm2)
    maskn = dn * dlast <= 0.0
    dn = jnp.where(maskn, 0.0, dn)
    masknb = (dlast * dlast2 < 0.0) & (~maskn)
    dn = jnp.where(masknb & (jnp.abs(dn) > 3.0 * jnp.abs(dlast)), 3.0 * dlast, dn)
    plsc.store_scatter(dv, [zero_i + jnp.maximum(n_v - 1, 0)], dn, mask=lane0)

    @pl.when(n_v == 2)
    def _():
        plsc.store_scatter(dv, [jnp.minimum(iota, 1)], delta0, mask=iota < 2)

    @plsc.parallel_loop(b_lo, b_hi, jnp.int32(1), unroll=1)
    def p3(c):
        base = c * jnp.int32(L)
        s1 = jnp.minimum(iota + base + 1, T - 1)
        x0s = xv[pl.ds(base, L)]
        y0s = yv[pl.ds(base, L)]
        d0s = dv[pl.ds(base, L)]
        x1s = plsc.load_gather(xv, [s1])
        y1s = plsc.load_gather(yv, [s1])
        d1s = plsc.load_gather(dv, [s1])
        hs = x1s - x0s
        dys = y1s - y0s
        b0s = hs * d0s
        b1s = hs * d1s
        x1t[pl.ds(base, L)] = x1s
        hinvt[pl.ds(base, L)] = 1.0 / hs
        b0t[pl.ds(base, L)] = b0s
        cct[pl.ds(base, L)] = 3.0 * dys - 2.0 * b0s - b1s
        eet[pl.ds(base, L)] = b0s + b1s - 2.0 * dys

    nseg_s = zero_i + nseg_sc
    nv_ok_b = (zero_i + (n_v >= 2).astype(jnp.int32)) == 1
    m_f = jnp.float32(M)

    def run_span(lo_vec, hi_vec):
        @plsc.parallel_loop(lo_vec, hi_vec, jnp.int32(1), unroll=4)
        def body(c):
            p = (zero_i + (base0 + c * jnp.int32(L)) * jnp.int32(4095)) + iota4095
            hi = lax.shift_right_logical(p, jnp.int32(20))
            lo = p & M
            sfold = hi + lo
            ge = sfold >= M
            r = jnp.where(ge, sfold - M, sfold)
            q = jnp.where(ge, hi + 1, hi)
            frac = r.astype(jnp.float32) / m_f
            seg = jnp.clip(plsc.load_gather(rank_v, [q]), 0, nseg_s)
            x0 = plsc.load_gather(xv, [seg])
            x1 = plsc.load_gather(x1t, [seg])
            y0 = plsc.load_gather(yv, [seg])
            b0 = plsc.load_gather(b0t, [seg])
            cc = plsc.load_gather(cct, [seg])
            ee = plsc.load_gather(eet, [seg])
            hin = plsc.load_gather(hinvt, [seg])
            qf = q.astype(jnp.float32)
            t = ((qf - x0) + frac) * hin
            up = ((ee * t + cc) * t + b0) * t + y0
            ux = qf + frac
            fi = ux.astype(jnp.int32)
            fr = ux - fi.astype(jnp.float32)
            gt = fr > 0.5
            tie_odd = (fr == 0.5) & ((fi & 1) == 1)
            back = (fi + (gt | tie_odd).astype(jnp.int32)).astype(jnp.float32)
            keep = ((back == x0) | (back == x1)) & nv_ok_b & (up > 0.0)
            out_v[pl.ds(c * jnp.int32(L), L)] = jnp.where(keep, up, 0.0)

    run_span(jnp.int32(0), jnp.int32(NVEC))
    pltpu.sync_copy(out_v, out_hbm.at[pl.ds(base0, CHUNK)])


def _compiler_params():
    cp = pltpu.CompilerParams()
    if "needs_layout_passes" in pltpu.CompilerParams.__dataclass_fields__:
        cp = dataclasses.replace(cp, needs_layout_passes=False)
    return cp


def _make_call():
    return pl.kernel(
        _sc_kernel,
        out_type=jax.ShapeDtypeStruct((UP_LEN,), jnp.float32),
        mesh=_mesh,
        compiler_params=_compiler_params(),
        scratch_types=[
            pltpu.VMEM((T,), jnp.float32),
            pltpu.VMEM((T,), jnp.float32),
            pltpu.VMEM((T,), jnp.float32),
            pltpu.VMEM((T,), jnp.float32),
            pltpu.VMEM((T,), jnp.int32),
            pltpu.VMEM((NBLK,), jnp.int32),
            pltpu.VMEM((NBLK,), jnp.int32),
            pltpu.VMEM((CHUNK,), jnp.float32),
            pltpu.VMEM((T,), jnp.float32),
            pltpu.VMEM((T,), jnp.float32),
            pltpu.VMEM((T,), jnp.float32),
            pltpu.VMEM((T,), jnp.float32),
            pltpu.VMEM((T,), jnp.float32),
        ],
    )


def kernel(f0):
    out = _make_call()(f0.reshape(T))
    return out.reshape(1, 1, UP_LEN)

# --- scband reference (transcript-rebuilt; emitter-appended) ---
"""Pipeline reference for scband-pchip-f0-upsampler-torch-18219251270368 (READ-ONLY COPY).

The authoritative reference and input builder live on the scoring server;
editing this copy changes nothing except your own understanding.
"""

import jax, jax.numpy as jnp
import numpy as np

jax.config.update("jax_enable_x64", True)

SCALE_FACTOR = 256


def _round_half_even(x):
    # Emulates np.round half-to-even for non-negative float32 inputs.
    flo = jnp.floor(x)
    frac = x - flo
    lt = frac < 0.5
    gt = frac > 0.5
    flo_even = jnp.remainder(flo, 2) == 0
    half = jnp.where(flo_even, flo, flo + 1.0)
    return jnp.where(lt, flo, jnp.where(gt, flo + 1.0, half))


def _pchip_slopes(x_v, y_v, n_v):
    # Fritsch-Butland PCHIP derivatives, matching SciPy PchipInterpolator.
    dx = x_v[1:] - x_v[:-1]
    dy = y_v[1:] - y_v[:-1]
    delta = dy / dx
    hk = dx[1:]
    hkm1 = dx[:-1]
    w1 = 2.0 * hk + hkm1
    w2 = hk + 2.0 * hkm1
    dkm1 = delta[:-1]
    dk = delta[1:]
    mono = dkm1 * dk > 0.0
    safe_km1 = jnp.where(mono, dkm1, 1.0)
    safe_k = jnp.where(mono, dk, 1.0)
    denom = w1 / safe_km1 + w2 / safe_k
    hm = (w1 + w2) / denom
    interior = jnp.where(mono, hm, 0.0)
    h0 = dx[0]
    h1 = dx[1]
    m = jnp.maximum(n_v - 2, 0)
    mm1 = jnp.maximum(n_v - 3, 0)
    hm2 = dx[mm1]
    hm1_ = dx[m]
    delta_last = delta[m]
    delta_last2 = delta[mm1]
    d0 = ((2.0 * h0 + h1) * delta[0] - h0 * delta[1]) / (h0 + h1)
    mask0 = d0 * delta[0] <= 0
    d0 = jnp.where(mask0, 0.0, d0)
    mask0b = (delta[0] * delta[1] < 0) & (~mask0)
    d0 = jnp.where(mask0b & (jnp.abs(d0) > 3.0 * jnp.abs(delta[0])), 3.0 * delta[0], d0)
    dn = ((2.0 * hm1_ + hm2) * delta_last - hm1_ * delta_last2) / (hm1_ + hm2)
    maskn = dn * delta_last <= 0
    dn = jnp.where(maskn, 0.0, dn)
    masknb = (delta_last * delta_last2 < 0) & (~maskn)
    dn = jnp.where(masknb & (jnp.abs(dn) > 3.0 * jnp.abs(delta_last)), 3.0 * delta_last, dn)
    d = jnp.concatenate([d0[None], interior, jnp.zeros((1,), x_v.dtype)])
    d = d.at[jnp.maximum(n_v - 1, 0)].set(dn)
    d = jnp.where(n_v == 2, delta[0], d)
    return d


def setup_inputs(seed: int = 0) -> dict:
    key = jax.random.key(seed)
    f0 = jax.random.normal(key, (1, 1, 4096), dtype=jnp.float32)
    return {"f0": f0}


def reference(f0):
    T = f0.shape[2]
    up_len = T * SCALE_FACTOR
    up_x = jnp.linspace(0.0, float(T - 1), up_len, dtype=jnp.float64)
    up_x32 = up_x.astype(jnp.float32)
    y = f0[0, 0].astype(jnp.float64)
    voiced = f0[0, 0] > 0.0
    n_v = jnp.sum(voiced)
    pos = jnp.arange(T)
    rank = jnp.cumsum(voiced) - 1
    scat = jnp.where(voiced, rank, T)
    x_s = jnp.zeros((T,), dtype=jnp.float64).at[scat].set(pos.astype(jnp.float64), mode='drop')
    y_s = jnp.zeros((T,), dtype=jnp.float64).at[scat].set(y, mode='drop')
    x_last = x_s[jnp.maximum(n_v - 1, 0)]
    valid = pos < n_v
    x_v = jnp.where(valid, x_s, x_last + (pos - n_v + 1).astype(jnp.float64))
    y_v = jnp.where(valid, y_s, 0.0)
    d_v = _pchip_slopes(x_v, y_v, n_v)
    seg = jnp.clip(jnp.searchsorted(x_v, up_x, side='right') - 1, 0, jnp.maximum(n_v - 2, 0))
    x0 = x_v[seg]
    x1 = x_v[seg + 1]
    y0 = y_v[seg]
    y1 = y_v[seg + 1]
    dd0 = d_v[seg]
    dd1 = d_v[seg + 1]
    h = x1 - x0
    t = (up_x - x0) / h
    t2 = t * t
    t3 = t2 * t
    h00 = 2.0 * t3 - 3.0 * t2 + 1.0
    h10 = t3 - 2.0 * t2 + t
    h01 = -2.0 * t3 + 3.0 * t2
    h11 = t3 - t2
    up_y = h00 * y0 + h10 * h * dd0 + h01 * y1 + h11 * h * dd1
    up32 = up_y.astype(jnp.float32)
    up32 = jnp.where(up32 < 0.0, 0.0, up32)
    back = jnp.clip(_round_half_even(up_x32).astype(jnp.int64), 0, T - 1)
    keep = voiced[back]
    up32 = jnp.where(keep, up32, 0.0)
    up32 = jnp.where(n_v >= 2, up32, 0.0)
    return up32[None, None, :]

if __name__ == "__main__":
    import jax
    _d = setup_inputs()
    print(jax.jit(kernel)(*tuple(_d.values())))

</pallas_src>

<mosaic_0001>
#map = affine_map<(d0, d1) -> (0)>
module attributes {stable_mosaic.version = 14 : i64} {
  func.func @_sc_kernel(%arg0: i32, %arg1: i32, %arg2: memref<4096xf32, #tpu.memory_space<hbm>>, %arg3: memref<1048576xf32, #tpu.memory_space<hbm>>, %arg4: memref<4096xf32, #tpu.memory_space<vmem>>, %arg5: memref<4096xf32, #tpu.memory_space<vmem>>, %arg6: memref<4096xf32, #tpu.memory_space<vmem>>, %arg7: memref<4096xf32, #tpu.memory_space<vmem>>, %arg8: memref<4096xi32, #tpu.memory_space<vmem>>, %arg9: memref<256xi32, #tpu.memory_space<vmem>>, %arg10: memref<256xi32, #tpu.memory_space<vmem>>, %arg11: memref<32768xf32, #tpu.memory_space<vmem>>, %arg12: memref<4096xf32, #tpu.memory_space<vmem>>, %arg13: memref<4096xf32, #tpu.memory_space<vmem>>, %arg14: memref<4096xf32, #tpu.memory_space<vmem>>, %arg15: memref<4096xf32, #tpu.memory_space<vmem>>, %arg16: memref<4096xf32, #tpu.memory_space<vmem>>) attributes {dimension_semantics = [#tpu.dimension_semantics<core_parallel>, #tpu.dimension_semantics<subcore_parallel>], iteration_bounds = array<i64: 2, 16>, scalar_prefetch = 0 : i64, scratch_operands = 13 : i64, tpu.core_type = #tpu.core_type<sc_vector_subcore>, window_params = [{transform_indices = #map}, {transform_indices = #map}]} {
    %mul3A = arith.constant 2 : i32
    %mul3A_0 = arith.muli %arg1, %mul3A : i32
    %add3A = arith.addi %mul3A_0, %arg0 : i32
    "tpu.region"() ({
      %run_scoped3A = tpu.sem_alloc : memref<!tpu.dma_semaphore, #tpu.memory_space<semaphore_mem>>
      tpu.enqueue_dma source(%arg2 : memref<4096xf32, #tpu.memory_space<hbm>>) target(%arg4 : memref<4096xf32, #tpu.memory_space<vmem>>) target_semaphore(%run_scoped3A : memref<!tpu.dma_semaphore, #tpu.memory_space<semaphore_mem>>)
      tpu.wait_dma2 semaphore(%run_scoped3A : memref<!tpu.dma_semaphore, #tpu.memory_space<semaphore_mem>>) src(%arg2 : memref<4096xf32, #tpu.memory_space<hbm>>) dst(%arg4 : memref<4096xf32, #tpu.memory_space<vmem>>)
      tpu.yield
    }) : () -> ()
    %iota3A = tpu.iota {dimensions = array<i32: 0>} : vector<16xi32>
    %broadcast_in_dim3A = arith.constant 0 : i32
    %broadcast_in_dim3A_1 = vector.broadcast %broadcast_in_dim3A : i32 to vector<16xi32>
    %mul3A_2 = arith.constant 4095 : i32
    %mul3A_3 = vector.broadcast %mul3A_2 : i32 to vector<16xi32>
    %mul3A_4 = arith.muli %iota3A, %mul3A_3 : vector<16xi32>
    %eq3A = arith.constant 0 : i32
    %eq3A_5 = vector.broadcast %eq3A : i32 to vector<16xi32>
    %eq3A_6 = arith.cmpi eq, %iota3A, %eq3A_5 : vector<16xi32>
    %parallel_loop3A = arith.constant 0 : i32
    %parallel_loop3A_7 = arith.constant 256 : i32
    %parallel_loop3A_8 = arith.constant 1 : i32
    scf.for %parallel_loop3A_257 = %parallel_loop3A to %parallel_loop3A_7 step %parallel_loop3A_8  : i32 {
      %parallel_loop3A_258 = arith.constant 16 : i32
      %parallel_loop3A_259 = arith.muli %parallel_loop3A_257, %parallel_loop3A_258 : i32
      %parallel_loop3A_260 = arith.index_cast %parallel_loop3A_259 : i32 to index
      %parallel_loop3A_261 = tpu.vector_load %arg4[%parallel_loop3A_260] {strides = array<i32>} : memref<4096xf32, #tpu.memory_space<vmem>>, vector<16xf32>,
      %parallel_loop3A_262 = arith.constant 0.000000e+00 : f32
      %parallel_loop3A_263 = vector.broadcast %parallel_loop3A_262 : f32 to vector<16xf32>
      %parallel_loop3A_264 = arith.cmpf ogt, %parallel_loop3A_261, %parallel_loop3A_263 : vector<16xf32>
      %parallel_loop3A_265 = tpu.all_reduce %parallel_loop3A_264 {dim = 0 : i64, kind = #tpu.reduction_kind<sum>} : vector<16xi1> -> vector<16xi32>
      %parallel_loop3A_266 = vector.broadcast %parallel_loop3A_257 : i32 to vector<16xi32>
      %parallel_loop3A_267 = arith.addi %broadcast_in_dim3A_1, %parallel_loop3A_266 : vector<16xi32>
      tpu.vector_store_idx %arg9[%parallel_loop3A_267], %parallel_loop3A_265 masked %eq3A_6 : memref<256xi32, #tpu.memory_space<vmem>>[vector<16xi32>], vector<16xi32>, vector<16xi1>
    } {sc.loop_unroll_factor = 4 : i64, sc.parallel_access}
    %while3A = arith.constant 0 : i32
    %while3A_9 = arith.constant 16 : i32
    %while3A_10 = arith.constant 0 : i32
    %while3A_11 = arith.subi %while3A_9, %while3A : i32
    %while3A_12 = arith.addi %while3A, %while3A_11 : i32
    %while3A_13 = arith.constant 1 : i32
    %while3A_14 = arith.divsi %while3A_11, %while3A_13 : i32
    %while3A_15 = arith.muli %while3A_14, %while3A_13 : i32
    %while3A_16 = arith.addi %while3A, %while3A_15 : i32
    %while3A_17 = arith.constant 1 : i32
    %while3A_18 = scf.for %while3A_257 = %while3A to %while3A_16 step %while3A_17 iter_args(%while3A_258 = %while3A_10) -> (i32)  : i32 {
      %mul3A_259 = arith.constant 16 : i32
      %mul3A_260 = arith.muli %while3A_257, %mul3A_259 : i32
      %get3A = arith.index_cast %mul3A_260 : i32 to index
      %get3A_261 = tpu.vector_load %arg9[%get3A] {strides = array<i32>} : memref<256xi32, #tpu.memory_space<vmem>>, vector<16xi32>,
      %cumsum3A = arith.constant true
      %cumsum3A_262 = vector.broadcast %cumsum3A : i1 to vector<16xi1>
      %cumsum3A_263 = tpu.scan <sum>, %get3A_261 masked %cumsum3A_262 : vector<16xi32>, vector<16xi1> -> vector<16xi32>
      %add3A_264 = vector.broadcast %while3A_258 : i32 to vector<16xi32>
      %add3A_265 = arith.addi %cumsum3A_263, %add3A_264 : vector<16xi32>
      %sub3A_266 = arith.subi %add3A_265, %get3A_261 : vector<16xi32>
      %swap3A = arith.index_cast %mul3A_260 : i32 to index
      %swap3A_267 = tpu.vector_load %arg10[%swap3A] {strides = array<i32>} : memref<256xi32, #tpu.memory_space<vmem>>, vector<16xi32>,
      tpu.vector_store %arg10[%swap3A], %sub3A_266 {strides = array<i32>} : memref<256xi32, #tpu.memory_space<vmem>>, vector<16xi32>,
      %reduce_max3A_268 = arith.constant true
      %reduce_max3A_269 = vector.broadcast %reduce_max3A_268 : i1 to vector<16xi1>
      %reduce_max3A_270 = arith.constant -2147483648 : i32
      %reduce_max3A_271 = vector.broadcast %reduce_max3A_270 : i32 to vector<16xi32>
      %reduce_max3A_272 = arith.xori %add3A_265, %reduce_max3A_271 : vector<16xi32>
      %reduce_max3A_273 = tpu.scan <max>, %reduce_max3A_272 masked %reduce_max3A_269 : vector<16xi32>, vector<16xi1> -> vector<16xi32>
      %reduce_max3A_274 = arith.xori %reduce_max3A_273, %reduce_max3A_271 : vector<16xi32>
      %reduce_max3A_275 = vector.extract %reduce_max3A_274[15] : i32 from vector<16xi32>
      scf.yield %reduce_max3A_275 : i32
    }
    %while3A_19 = arith.constant 1 : i32
    %while3A_20 = scf.for %while3A_257 = %while3A_16 to %while3A_12 step %while3A_19 iter_args(%while3A_258 = %while3A_18) -> (i32)  : i32 {
      %mul3A_259 = arith.constant 16 : i32
      %mul3A_260 = arith.muli %while3A_257, %mul3A_259 : i32
      %get3A = arith.index_cast %mul3A_260 : i32 to index
      %get3A_261 = tpu.vector_load %arg9[%get3A] {strides = array<i32>} : memref<256xi32, #tpu.memory_space<vmem>>, vector<16xi32>,
      %cumsum3A = arith.constant true
      %cumsum3A_262 = vector.broadcast %cumsum3A : i1 to vector<16xi1>
      %cumsum3A_263 = tpu.scan <sum>, %get3A_261 masked %cumsum3A_262 : vector<16xi32>, vector<16xi1> -> vector<16xi32>
      %add3A_264 = vector.broadcast %while3A_258 : i32 to vector<16xi32>
      %add3A_265 = arith.addi %cumsum3A_263, %add3A_264 : vector<16xi32>
      %sub3A_266 = arith.subi %add3A_265, %get3A_261 : vector<16xi32>
      %swap3A = arith.index_cast %mul3A_260 : i32 to index
      %swap3A_267 = tpu.vector_load %arg10[%swap3A] {strides = array<i32>} : memref<256xi32, #tpu.memory_space<vmem>>, vector<16xi32>,
      tpu.vector_store %arg10[%swap3A], %sub3A_266 {strides = array<i32>} : memref<256xi32, #tpu.memory_space<vmem>>, vector<16xi32>,
      %reduce_max3A_268 = arith.constant true
      %reduce_max3A_269 = vector.broadcast %reduce_max3A_268 : i1 to vector<16xi1>
      %reduce_max3A_270 = arith.constant -2147483648 : i32
      %reduce_max3A_271 = vector.broadcast %reduce_max3A_270 : i32 to vector<16xi32>
      %reduce_max3A_272 = arith.xori %add3A_265, %reduce_max3A_271 : vector<16xi32>
      %reduce_max3A_273 = tpu.scan <max>, %reduce_max3A_272 masked %reduce_max3A_269 : vector<16xi32>, vector<16xi1> -> vector<16xi32>
      %reduce_max3A_274 = arith.xori %reduce_max3A_273, %reduce_max3A_271 : vector<16xi32>
      %reduce_max3A_275 = vector.extract %reduce_max3A_274[15] : i32 from vector<16xi32>
      scf.yield %reduce_max3A_275 : i32
    }
    %parallel_loop3A_21 = arith.constant 0 : i32
    %parallel_loop3A_22 = arith.constant 256 : i32
    %parallel_loop3A_23 = arith.constant 1 : i32
    scf.for %parallel_loop3A_257 = %parallel_loop3A_21 to %parallel_loop3A_22 step %parallel_loop3A_23  : i32 {
      %parallel_loop3A_258 = arith.constant 16 : i32
      %parallel_loop3A_259 = arith.muli %parallel_loop3A_257, %parallel_loop3A_258 : i32
      %parallel_loop3A_260 = arith.index_cast %parallel_loop3A_259 : i32 to index
      %parallel_loop3A_261 = tpu.vector_load %arg4[%parallel_loop3A_260] {strides = array<i32>} : memref<4096xf32, #tpu.memory_space<vmem>>, vector<16xf32>,
      %parallel_loop3A_262 = arith.constant 0.000000e+00 : f32
      %parallel_loop3A_263 = vector.broadcast %parallel_loop3A_262 : f32 to vector<16xf32>
      %parallel_loop3A_264 = arith.cmpf ogt, %parallel_loop3A_261, %parallel_loop3A_263 : vector<16xf32>
      %parallel_loop3A_265 = vector.broadcast %parallel_loop3A_257 : i32 to vector<16xi32>
      %parallel_loop3A_266 = arith.addi %broadcast_in_dim3A_1, %parallel_loop3A_265 : vector<16xi32>
      %parallel_loop3A_267 = tpu.vector_load_idx %arg10[%parallel_loop3A_266] : memref<256xi32, #tpu.memory_space<vmem>>[vector<16xi32>], vector<16xi32>,
      %parallel_loop3A_268 = arith.extui %parallel_loop3A_264 : vector<16xi1> to vector<16xi32>
      %parallel_loop3A_269 = arith.constant true
      %parallel_loop3A_270 = vector.broadcast %parallel_loop3A_269 : i1 to vector<16xi1>
      %parallel_loop3A_271 = tpu.scan <sum>, %parallel_loop3A_268 masked %parallel_loop3A_270 : vector<16xi32>, vector<16xi1> -> vector<16xi32>
      %parallel_loop3A_272 = arith.addi %parallel_loop3A_271, %parallel_loop3A_267 : vector<16xi32>
      %parallel_loop3A_273 = arith.constant 1 : i32
      %parallel_loop3A_274 = vector.broadcast %parallel_loop3A_273 : i32 to vector<16xi32>
      %parallel_loop3A_275 = arith.subi %parallel_loop3A_272, %parallel_loop3A_274 : vector<16xi32>
      %parallel_loop3A_276 = arith.index_cast %parallel_loop3A_259 : i32 to index
      %parallel_loop3A_277 = tpu.vector_load %arg8[%parallel_loop3A_276] {strides = array<i32>} : memref<4096xi32, #tpu.memory_space<vmem>>, vector<16xi32>,
      tpu.vector_store %arg8[%parallel_loop3A_276], %parallel_loop3A_275 {strides = array<i32>} : memref<4096xi32, #tpu.memory_space<vmem>>, vector<16xi32>,
      %parallel_loop3A_278 = arith.constant 1 : i32
      %parallel_loop3A_279 = vector.broadcast %parallel_loop3A_278 : i32 to vector<16xi32>
      %parallel_loop3A_280 = arith.subi %parallel_loop3A_272, %parallel_loop3A_279 : vector<16xi32>
      %parallel_loop3A_281 = arith.constant 0 : i32
      %parallel_loop3A_282 = vector.broadcast %parallel_loop3A_281 : i32 to vector<16xi32>
      %parallel_loop3A_283 = arith.maxsi %parallel_loop3A_280, %parallel_loop3A_282 : vector<16xi32>
      %parallel_loop3A_284 = vector.broadcast %parallel_loop3A_259 : i32 to vector<16xi32>
      %parallel_loop3A_285 = arith.addi %iota3A, %parallel_loop3A_284 : vector<16xi32>
      %parallel_loop3A_286 = arith.sitofp %parallel_loop3A_285 : vector<16xi32> to vector<16xf32>
      tpu.vector_store_idx %arg5[%parallel_loop3A_283], %parallel_loop3A_286 masked %parallel_loop3A_264 : memref<4096xf32, #tpu.memory_space<vmem>>[vector<16xi32>], vector<16xf32>, vector<16xi1>
      tpu.vector_store_idx %arg6[%parallel_loop3A_283], %parallel_loop3A_261 masked %parallel_loop3A_264 : memref<4096xf32, #tpu.memory_space<vmem>>[vector<16xi32>], vector<16xf32>, vector<16xi1>
    } {sc.loop_unroll_factor = 4 : i64, sc.parallel_access}
    %mul3A_24 = arith.constant 32768 : i32
    %mul3A_25 = arith.muli %add3A, %mul3A_24 : i32
    %sub3A = arith.constant 2 : i32
    %sub3A_26 = arith.subi %while3A_20, %sub3A : i32
    %max3A = arith.constant 0 : i32
    %max3A_27 = arith.maxsi %sub3A_26, %max3A : i32
    %mul3A_28 = arith.constant 4095 : i32
    %mul3A_29 = arith.muli %mul3A_25, %mul3A_28 : i32
    %shift_right_logical3A = arith.constant 20 : i32
    %shift_right_logical3A_30 = arith.shrui %mul3A_29, %shift_right_logical3A : i32
    %and3A = arith.constant 1048575 : i32
    %and3A_31 = arith.andi %mul3A_29, %and3A : i32
    %add3A_32 = arith.addi %shift_right_logical3A_30, %and3A_31 : i32
    %ge3A = arith.constant 1048575 : i32
    %ge3A_33 = arith.cmpi sge, %add3A_32, %ge3A : i32
    %add3A_34 = arith.constant 1 : i32
    %add3A_35 = arith.addi %shift_right_logical3A_30, %add3A_34 : i32
    %select_n3A = arith.select %ge3A_33, %add3A_35, %shift_right_logical3A_30 : i32
    %add3A_36 = vector.broadcast %select_n3A : i32 to vector<16xi32>
    %add3A_37 = arith.addi %broadcast_in_dim3A_1, %add3A_36 : vector<16xi32>
    %gather3A = tpu.vector_load_idx %arg8[%add3A_37] : memref<4096xi32, #tpu.memory_space<vmem>>[vector<16xi32>], vector<16xi32>,
    %reduce_max3A = arith.constant true
    %reduce_max3A_38 = vector.broadcast %reduce_max3A : i1 to vector<16xi1>
    %reduce_max3A_39 = arith.constant -2147483648 : i32
    %reduce_max3A_40 = vector.broadcast %reduce_max3A_39 : i32 to vector<16xi32>
    %reduce_max3A_41 = arith.xori %gather3A, %reduce_max3A_40 : vector<16xi32>
    %reduce_max3A_42 = tpu.scan <max>, %reduce_max3A_41 masked %reduce_max3A_38 : vector<16xi32>, vector<16xi1> -> vector<16xi32>
    %reduce_max3A_43 = arith.xori %reduce_max3A_42, %reduce_max3A_40 : vector<16xi32>
    %reduce_max3A_44 = vector.extract %reduce_max3A_43[15] : i32 from vector<16xi32>
    %jit3A = arith.constant 0 : i64
    %convert_element_type3A = arith.trunci %jit3A : i64 to i32
    %max3A_45 = arith.maxsi %convert_element_type3A, %reduce_max3A_44 : i32
    %min3A = arith.minsi %max3A_27, %max3A_45 : i32
    %add3A_46 = arith.constant 32767 : i32
    %add3A_47 = arith.addi %mul3A_25, %add3A_46 : i32
    %mul3A_48 = arith.constant 4095 : i32
    %mul3A_49 = arith.muli %add3A_47, %mul3A_48 : i32
    %shift_right_logical3A_50 = arith.constant 20 : i32
    %shift_right_logical3A_51 = arith.shrui %mul3A_49, %shift_right_logical3A_50 : i32
    %and3A_52 = arith.constant 1048575 : i32
    %and3A_53 = arith.andi %mul3A_49, %and3A_52 : i32
    %add3A_54 = arith.addi %shift_right_logical3A_51, %and3A_53 : i32
    %ge3A_55 = arith.constant 1048575 : i32
    %ge3A_56 = arith.cmpi sge, %add3A_54, %ge3A_55 : i32
    %add3A_57 = arith.constant 1 : i32
    %add3A_58 = arith.addi %shift_right_logical3A_51, %add3A_57 : i32
    %select_n3A_59 = arith.select %ge3A_56, %add3A_58, %shift_right_logical3A_51 : i32
    %add3A_60 = vector.broadcast %select_n3A_59 : i32 to vector<16xi32>
    %add3A_61 = arith.addi %broadcast_in_dim3A_1, %add3A_60 : vector<16xi32>
    %gather3A_62 = tpu.vector_load_idx %arg8[%add3A_61] : memref<4096xi32, #tpu.memory_space<vmem>>[vector<16xi32>], vector<16xi32>,
    %reduce_max3A_63 = arith.constant true
    %reduce_max3A_64 = vector.broadcast %reduce_max3A_63 : i1 to vector<16xi1>
    %reduce_max3A_65 = arith.constant -2147483648 : i32
    %reduce_max3A_66 = vector.broadcast %reduce_max3A_65 : i32 to vector<16xi32>
    %reduce_max3A_67 = arith.xori %gather3A_62, %reduce_max3A_66 : vector<16xi32>
    %reduce_max3A_68 = tpu.scan <max>, %reduce_max3A_67 masked %reduce_max3A_64 : vector<16xi32>, vector<16xi1> -> vector<16xi32>
    %reduce_max3A_69 = arith.xori %reduce_max3A_68, %reduce_max3A_66 : vector<16xi32>
    %reduce_max3A_70 = vector.extract %reduce_max3A_69[15] : i32 from vector<16xi32>
    %jit3A_71 = arith.constant 0 : i64
    %convert_element_type3A_72 = arith.trunci %jit3A_71 : i64 to i32
    %max3A_73 = arith.maxsi %convert_element_type3A_72, %reduce_max3A_70 : i32
    %min3A_74 = arith.minsi %max3A_27, %max3A_73 : i32
    %shift_right_logical3A_75 = arith.constant 4 : i32
    %shift_right_logical3A_76 = arith.shrui %min3A, %shift_right_logical3A_75 : i32
    %add3A_77 = arith.constant 1 : i32
    %add3A_78 = arith.addi %min3A_74, %add3A_77 : i32
    %shift_right_logical3A_79 = arith.constant 4 : i32
    %shift_right_logical3A_80 = arith.shrui %add3A_78, %shift_right_logical3A_79 : i32
    %add3A_81 = arith.constant 1 : i32
    %add3A_82 = arith.addi %shift_right_logical3A_80, %add3A_81 : i32
    %parallel_loop3A_83 = arith.constant 1 : i32
    scf.for %parallel_loop3A_257 = %shift_right_logical3A_76 to %add3A_82 step %parallel_loop3A_83  : i32 {
      %parallel_loop3A_258 = arith.constant 16 : i32
      %parallel_loop3A_259 = arith.muli %parallel_loop3A_257, %parallel_loop3A_258 : i32
      %parallel_loop3A_260 = vector.broadcast %parallel_loop3A_259 : i32 to vector<16xi32>
      %parallel_loop3A_261 = arith.addi %iota3A, %parallel_loop3A_260 : vector<16xi32>
      %parallel_loop3A_262 = arith.constant 1 : i32
      %parallel_loop3A_263 = vector.broadcast %parallel_loop3A_262 : i32 to vector<16xi32>
      %parallel_loop3A_264 = arith.subi %parallel_loop3A_261, %parallel_loop3A_263 : vector<16xi32>
      %parallel_loop3A_265 = arith.constant 0 : i32
      %parallel_loop3A_266 = vector.broadcast %parallel_loop3A_265 : i32 to vector<16xi32>
      %parallel_loop3A_267 = arith.maxsi %parallel_loop3A_264, %parallel_loop3A_266 : vector<16xi32>
      %parallel_loop3A_268 = arith.constant 1 : i32
      %parallel_loop3A_269 = vector.broadcast %parallel_loop3A_268 : i32 to vector<16xi32>
      %parallel_loop3A_270 = arith.addi %parallel_loop3A_261, %parallel_loop3A_269 : vector<16xi32>
      %parallel_loop3A_271 = arith.constant 4095 : i32
      %parallel_loop3A_272 = vector.broadcast %parallel_loop3A_271 : i32 to vector<16xi32>
      %parallel_loop3A_273 = arith.minsi %parallel_loop3A_270, %parallel_loop3A_272 : vector<16xi32>
      %parallel_loop3A_274 = arith.index_cast %parallel_loop3A_259 : i32 to index
      %parallel_loop3A_275 = tpu.vector_load %arg5[%parallel_loop3A_274] {strides = array<i32>} : memref<4096xf32, #tpu.memory_space<vmem>>, vector<16xf32>,
      %parallel_loop3A_276 = arith.index_cast %parallel_loop3A_259 : i32 to index
      %parallel_loop3A_277 = tpu.vector_load %arg6[%parallel_loop3A_276] {strides = array<i32>} : memref<4096xf32, #tpu.memory_space<vmem>>, vector<16xf32>,
      %parallel_loop3A_278 = tpu.vector_load_idx %arg5[%parallel_loop3A_267] : memref<4096xf32, #tpu.memory_space<vmem>>[vector<16xi32>], vector<16xf32>,
      %parallel_loop3A_279 = tpu.vector_load_idx %arg5[%parallel_loop3A_273] : memref<4096xf32, #tpu.memory_space<vmem>>[vector<16xi32>], vector<16xf32>,
      %parallel_loop3A_280 = tpu.vector_load_idx %arg6[%parallel_loop3A_267] : memref<4096xf32, #tpu.memory_space<vmem>>[vector<16xi32>], vector<16xf32>,
      %parallel_loop3A_281 = tpu.vector_load_idx %arg6[%parallel_loop3A_273] : memref<4096xf32, #tpu.memory_space<vmem>>[vector<16xi32>], vector<16xf32>,
      %parallel_loop3A_282 = arith.subf %parallel_loop3A_279, %parallel_loop3A_275 : vector<16xf32>
      %parallel_loop3A_283 = arith.subf %parallel_loop3A_275, %parallel_loop3A_278 : vector<16xf32>
      %parallel_loop3A_284 = arith.subf %parallel_loop3A_281, %parallel_loop3A_277 : vector<16xf32>
      %parallel_loop3A_285 = arith.divf %parallel_loop3A_284, %parallel_loop3A_282 : vector<16xf32>
      %parallel_loop3A_286 = arith.subf %parallel_loop3A_277, %parallel_loop3A_280 : vector<16xf32>
      %parallel_loop3A_287 = arith.divf %parallel_loop3A_286, %parallel_loop3A_283 : vector<16xf32>
      %parallel_loop3A_288 = arith.constant 2.000000e+00 : f32
      %parallel_loop3A_289 = vector.broadcast %parallel_loop3A_288 : f32 to vector<16xf32>
      %parallel_loop3A_290 = arith.mulf %parallel_loop3A_289, %parallel_loop3A_282 : vector<16xf32>
      %parallel_loop3A_291 = arith.addf %parallel_loop3A_290, %parallel_loop3A_283 : vector<16xf32>
      %parallel_loop3A_292 = arith.constant 2.000000e+00 : f32
      %parallel_loop3A_293 = vector.broadcast %parallel_loop3A_292 : f32 to vector<16xf32>
      %parallel_loop3A_294 = arith.mulf %parallel_loop3A_293, %parallel_loop3A_283 : vector<16xf32>
      %parallel_loop3A_295 = arith.addf %parallel_loop3A_282, %parallel_loop3A_294 : vector<16xf32>
      %parallel_loop3A_296 = arith.mulf %parallel_loop3A_287, %parallel_loop3A_285 : vector<16xf32>
      %parallel_loop3A_297 = arith.constant 0.000000e+00 : f32
      %parallel_loop3A_298 = vector.broadcast %parallel_loop3A_297 : f32 to vector<16xf32>
      %parallel_loop3A_299 = arith.cmpf ogt, %parallel_loop3A_296, %parallel_loop3A_298 : vector<16xf32>
      %parallel_loop3A_300 = arith.constant 1.000000e+00 : f64
      %parallel_loop3A_301 = arith.truncf %parallel_loop3A_300 : f64 to f32
      %parallel_loop3A_302 = vector.broadcast %parallel_loop3A_301 : f32 to vector<16xf32>
      %parallel_loop3A_303 = arith.select %parallel_loop3A_299, %parallel_loop3A_287, %parallel_loop3A_302 : vector<16xi1>, vector<16xf32>
      %parallel_loop3A_304 = arith.constant 1.000000e+00 : f64
      %parallel_loop3A_305 = arith.truncf %parallel_loop3A_304 : f64 to f32
      %parallel_loop3A_306 = vector.broadcast %parallel_loop3A_305 : f32 to vector<16xf32>
      %parallel_loop3A_307 = arith.select %parallel_loop3A_299, %parallel_loop3A_285, %parallel_loop3A_306 : vector<16xi1>, vector<16xf32>
      %parallel_loop3A_308 = arith.addf %parallel_loop3A_291, %parallel_loop3A_295 : vector<16xf32>
      %parallel_loop3A_309 = arith.divf %parallel_loop3A_291, %parallel_loop3A_303 : vector<16xf32>
      %parallel_loop3A_310 = arith.divf %parallel_loop3A_295, %parallel_loop3A_307 : vector<16xf32>
      %parallel_loop3A_311 = arith.addf %parallel_loop3A_309, %parallel_loop3A_310 : vector<16xf32>
      %parallel_loop3A_312 = arith.divf %parallel_loop3A_308, %parallel_loop3A_311 : vector<16xf32>
      %parallel_loop3A_313 = arith.constant 0.000000e+00 : f64
      %parallel_loop3A_314 = arith.truncf %parallel_loop3A_313 : f64 to f32
      %parallel_loop3A_315 = vector.broadcast %parallel_loop3A_314 : f32 to vector<16xf32>
      %parallel_loop3A_316 = arith.select %parallel_loop3A_299, %parallel_loop3A_312, %parallel_loop3A_315 : vector<16xi1>, vector<16xf32>
      %parallel_loop3A_317 = arith.index_cast %parallel_loop3A_259 : i32 to index
      %parallel_loop3A_318 = tpu.vector_load %arg7[%parallel_loop3A_317] {strides = array<i32>} : memref<4096xf32, #tpu.memory_space<vmem>>, vector<16xf32>,
      tpu.vector_store %arg7[%parallel_loop3A_317], %parallel_loop3A_316 {strides = array<i32>} : memref<4096xf32, #tpu.memory_space<vmem>>, vector<16xf32>,
    } {sc.loop_unroll_factor = 1 : i64, sc.parallel_access}
    %add3A_84 = arith.constant 0 : i32
    %add3A_85 = vector.broadcast %add3A_84 : i32 to vector<16xi32>
    %add3A_86 = arith.addi %broadcast_in_dim3A_1, %add3A_85 : vector<16xi32>
    %gather3A_87 = tpu.vector_load_idx %arg5[%add3A_86] : memref<4096xf32, #tpu.memory_space<vmem>>[vector<16xi32>], vector<16xf32>,
    %add3A_88 = arith.constant 1 : i32
    %add3A_89 = vector.broadcast %add3A_88 : i32 to vector<16xi32>
    %add3A_90 = arith.addi %broadcast_in_dim3A_1, %add3A_89 : vector<16xi32>
    %gather3A_91 = tpu.vector_load_idx %arg5[%add3A_90] : memref<4096xf32, #tpu.memory_space<vmem>>[vector<16xi32>], vector<16xf32>,
    %add3A_92 = arith.constant 2 : i32
    %add3A_93 = vector.broadcast %add3A_92 : i32 to vector<16xi32>
    %add3A_94 = arith.addi %broadcast_in_dim3A_1, %add3A_93 : vector<16xi32>
    %gather3A_95 = tpu.vector_load_idx %arg5[%add3A_94] : memref<4096xf32, #tpu.memory_space<vmem>>[vector<16xi32>], vector<16xf32>,
    %add3A_96 = arith.constant 0 : i32
    %add3A_97 = vector.broadcast %add3A_96 : i32 to vector<16xi32>
    %add3A_98 = arith.addi %broadcast_in_dim3A_1, %add3A_97 : vector<16xi32>
    %gather3A_99 = tpu.vector_load_idx %arg6[%add3A_98] : memref<4096xf32, #tpu.memory_space<vmem>>[vector<16xi32>], vector<16xf32>,
    %add3A_100 = arith.constant 1 : i32
    %add3A_101 = vector.broadcast %add3A_100 : i32 to vector<16xi32>
    %add3A_102 = arith.addi %broadcast_in_dim3A_1, %add3A_101 : vector<16xi32>
    %gather3A_103 = tpu.vector_load_idx %arg6[%add3A_102] : memref<4096xf32, #tpu.memory_space<vmem>>[vector<16xi32>], vector<16xf32>,
    %add3A_104 = arith.constant 2 : i32
    %add3A_105 = vector.broadcast %add3A_104 : i32 to vector<16xi32>
    %add3A_106 = arith.addi %broadcast_in_dim3A_1, %add3A_105 : vector<16xi32>
    %gather3A_107 = tpu.vector_load_idx %arg6[%add3A_106] : memref<4096xf32, #tpu.memory_space<vmem>>[vector<16xi32>], vector<16xf32>,
    %sub3A_108 = arith.subf %gather3A_91, %gather3A_87 : vector<16xf32>
    %sub3A_109 = arith.subf %gather3A_95, %gather3A_91 : vector<16xf32>
    %sub3A_110 = arith.subf %gather3A_103, %gather3A_99 : vector<16xf32>
    %div3A = arith.divf %sub3A_110, %sub3A_108 : vector<16xf32>
    %sub3A_111 = arith.subf %gather3A_107, %gather3A_103 : vector<16xf32>
    %div3A_112 = arith.divf %sub3A_111, %sub3A_109 : vector<16xf32>
    %mul3A_113 = arith.constant 2.000000e+00 : f32
    %mul3A_114 = vector.broadcast %mul3A_113 : f32 to vector<16xf32>
    %mul3A_115 = arith.mulf %mul3A_114, %sub3A_108 : vector<16xf32>
    %add3A_116 = arith.addf %mul3A_115, %sub3A_109 : vector<16xf32>
    %mul3A_117 = arith.mulf %add3A_116, %div3A : vector<16xf32>
    %mul3A_118 = arith.mulf %sub3A_108, %div3A_112 : vector<16xf32>
    %sub3A_119 = arith.subf %mul3A_117, %mul3A_118 : vector<16xf32>
    %add3A_120 = arith.addf %sub3A_108, %sub3A_109 : vector<16xf32>
    %div3A_121 = arith.divf %sub3A_119, %add3A_120 : vector<16xf32>
    %mul3A_122 = arith.mulf %div3A_121, %div3A : vector<16xf32>
    %le3A = arith.constant 0.000000e+00 : f32
    %le3A_123 = vector.broadcast %le3A : f32 to vector<16xf32>
    %le3A_124 = arith.cmpf ole, %mul3A_122, %le3A_123 : vector<16xf32>
    %jit3A_125 = arith.constant 0.000000e+00 : f64
    %convert_element_type3A_126 = arith.truncf %jit3A_125 : f64 to f32
    %broadcast_in_dim3A_127 = vector.broadcast %convert_element_type3A_126 : f32 to vector<16xf32>
    %select_n3A_128 = arith.select %le3A_124, %broadcast_in_dim3A_127, %div3A_121 : vector<16xi1>, vector<16xf32>
    %mul3A_129 = arith.mulf %div3A, %div3A_112 : vector<16xf32>
    %lt3A = arith.constant 0.000000e+00 : f32
    %lt3A_130 = vector.broadcast %lt3A : f32 to vector<16xf32>
    %lt3A_131 = arith.cmpf olt, %mul3A_129, %lt3A_130 : vector<16xf32>
    %not3A = arith.constant dense<true> : vector<16xi1>
    %not3A_132 = arith.xori %le3A_124, %not3A : vector<16xi1>
    %and3A_133 = arith.andi %lt3A_131, %not3A_132 : vector<16xi1>
    %abs3A = math.absf %select_n3A_128 : vector<16xf32>
    %abs3A_134 = math.absf %div3A : vector<16xf32>
    %mul3A_135 = arith.constant 3.000000e+00 : f32
    %mul3A_136 = vector.broadcast %mul3A_135 : f32 to vector<16xf32>
    %mul3A_137 = arith.mulf %mul3A_136, %abs3A_134 : vector<16xf32>
    %gt3A = arith.cmpf ogt, %abs3A, %mul3A_137 : vector<16xf32>
    %and3A_138 = arith.andi %and3A_133, %gt3A : vector<16xi1>
    %mul3A_139 = arith.constant 3.000000e+00 : f32
    %mul3A_140 = vector.broadcast %mul3A_139 : f32 to vector<16xf32>
    %mul3A_141 = arith.mulf %mul3A_140, %div3A : vector<16xf32>
    %select_n3A_142 = arith.select %and3A_138, %mul3A_141, %select_n3A_128 : vector<16xi1>, vector<16xf32>
    tpu.vector_store_idx %arg7[%broadcast_in_dim3A_1], %select_n3A_142 masked %eq3A_6 : memref<4096xf32, #tpu.memory_space<vmem>>[vector<16xi32>], vector<16xf32>, vector<16xi1>
    %sub3A_143 = arith.constant 2 : i32
    %sub3A_144 = arith.subi %while3A_20, %sub3A_143 : i32
    %max3A_145 = arith.constant 0 : i32
    %max3A_146 = arith.maxsi %sub3A_144, %max3A_145 : i32
    %sub3A_147 = arith.constant 3 : i32
    %sub3A_148 = arith.subi %while3A_20, %sub3A_147 : i32
    %max3A_149 = arith.constant 0 : i32
    %max3A_150 = arith.maxsi %sub3A_148, %max3A_149 : i32
    %add3A_151 = vector.broadcast %max3A_150 : i32 to vector<16xi32>
    %add3A_152 = arith.addi %broadcast_in_dim3A_1, %add3A_151 : vector<16xi32>
    %gather3A_153 = tpu.vector_load_idx %arg5[%add3A_152] : memref<4096xf32, #tpu.memory_space<vmem>>[vector<16xi32>], vector<16xf32>,
    %add3A_154 = arith.constant 1 : i32
    %add3A_155 = arith.addi %max3A_150, %add3A_154 : i32
    %min3A_156 = arith.constant 4095 : i32
    %min3A_157 = arith.minsi %add3A_155, %min3A_156 : i32
    %add3A_158 = vector.broadcast %min3A_157 : i32 to vector<16xi32>
    %add3A_159 = arith.addi %broadcast_in_dim3A_1, %add3A_158 : vector<16xi32>
    %gather3A_160 = tpu.vector_load_idx %arg5[%add3A_159] : memref<4096xf32, #tpu.memory_space<vmem>>[vector<16xi32>], vector<16xf32>,
    %add3A_161 = vector.broadcast %max3A_146 : i32 to vector<16xi32>
    %add3A_162 = arith.addi %broadcast_in_dim3A_1, %add3A_161 : vector<16xi32>
    %gather3A_163 = tpu.vector_load_idx %arg5[%add3A_162] : memref<4096xf32, #tpu.memory_space<vmem>>[vector<16xi32>], vector<16xf32>,
    %add3A_164 = arith.constant 1 : i32
    %add3A_165 = arith.addi %max3A_146, %add3A_164 : i32
    %min3A_166 = arith.constant 4095 : i32
    %min3A_167 = arith.minsi %add3A_165, %min3A_166 : i32
    %add3A_168 = vector.broadcast %min3A_167 : i32 to vector<16xi32>
    %add3A_169 = arith.addi %broadcast_in_dim3A_1, %add3A_168 : vector<16xi32>
    %gather3A_170 = tpu.vector_load_idx %arg5[%add3A_169] : memref<4096xf32, #tpu.memory_space<vmem>>[vector<16xi32>], vector<16xf32>,
    %add3A_171 = vector.broadcast %max3A_150 : i32 to vector<16xi32>
    %add3A_172 = arith.addi %broadcast_in_dim3A_1, %add3A_171 : vector<16xi32>
    %gather3A_173 = tpu.vector_load_idx %arg6[%add3A_172] : memref<4096xf32, #tpu.memory_space<vmem>>[vector<16xi32>], vector<16xf32>,
    %add3A_174 = arith.constant 1 : i32
    %add3A_175 = arith.addi %max3A_150, %add3A_174 : i32
    %min3A_176 = arith.constant 4095 : i32
    %min3A_177 = arith.minsi %add3A_175, %min3A_176 : i32
    %add3A_178 = vector.broadcast %min3A_177 : i32 to vector<16xi32>
    %add3A_179 = arith.addi %broadcast_in_dim3A_1, %add3A_178 : vector<16xi32>
    %gather3A_180 = tpu.vector_load_idx %arg6[%add3A_179] : memref<4096xf32, #tpu.memory_space<vmem>>[vector<16xi32>], vector<16xf32>,
    %add3A_181 = vector.broadcast %max3A_146 : i32 to vector<16xi32>
    %add3A_182 = arith.addi %broadcast_in_dim3A_1, %add3A_181 : vector<16xi32>
    %gather3A_183 = tpu.vector_load_idx %arg6[%add3A_182] : memref<4096xf32, #tpu.memory_space<vmem>>[vector<16xi32>], vector<16xf32>,
    %add3A_184 = arith.constant 1 : i32
    %add3A_185 = arith.addi %max3A_146, %add3A_184 : i32
    %min3A_186 = arith.constant 4095 : i32
    %min3A_187 = arith.minsi %add3A_185, %min3A_186 : i32
    %add3A_188 = vector.broadcast %min3A_187 : i32 to vector<16xi32>
    %add3A_189 = arith.addi %broadcast_in_dim3A_1, %add3A_188 : vector<16xi32>
    %gather3A_190 = tpu.vector_load_idx %arg6[%add3A_189] : memref<4096xf32, #tpu.memory_space<vmem>>[vector<16xi32>], vector<16xf32>,
    %sub3A_191 = arith.subf %gather3A_160, %gather3A_153 : vector<16xf32>
    %sub3A_192 = arith.subf %gather3A_170, %gather3A_163 : vector<16xf32>
    %sub3A_193 = arith.subf %gather3A_190, %gather3A_183 : vector<16xf32>
    %div3A_194 = arith.divf %sub3A_193, %sub3A_192 : vector<16xf32>
    %sub3A_195 = arith.subf %gather3A_180, %gather3A_173 : vector<16xf32>
    %div3A_196 = arith.divf %sub3A_195, %sub3A_191 : vector<16xf32>
    %mul3A_197 = arith.constant 2.000000e+00 : f32
    %mul3A_198 = vector.broadcast %mul3A_197 : f32 to vector<16xf32>
    %mul3A_199 = arith.mulf %mul3A_198, %sub3A_192 : vector<16xf32>
    %add3A_200 = arith.addf %mul3A_199, %sub3A_191 : vector<16xf32>
    %mul3A_201 = arith.mulf %add3A_200, %div3A_194 : vector<16xf32>
    %mul3A_202 = arith.mulf %sub3A_192, %div3A_196 : vector<16xf32>
    %sub3A_203 = arith.subf %mul3A_201, %mul3A_202 : vector<16xf32>
    %add3A_204 = arith.addf %sub3A_192, %sub3A_191 : vector<16xf32>
    %div3A_205 = arith.divf %sub3A_203, %add3A_204 : vector<16xf32>
    %mul3A_206 = arith.mulf %div3A_205, %div3A_194 : vector<16xf32>
    %le3A_207 = arith.constant 0.000000e+00 : f32
    %le3A_208 = vector.broadcast %le3A_207 : f32 to vector<16xf32>
    %le3A_209 = arith.cmpf ole, %mul3A_206, %le3A_208 : vector<16xf32>
    %jit3A_210 = arith.constant 0.000000e+00 : f64
    %convert_element_type3A_211 = arith.truncf %jit3A_210 : f64 to f32
    %broadcast_in_dim3A_212 = vector.broadcast %convert_element_type3A_211 : f32 to vector<16xf32>
    %select_n3A_213 = arith.select %le3A_209, %broadcast_in_dim3A_212, %div3A_205 : vector<16xi1>, vector<16xf32>
    %mul3A_214 = arith.mulf %div3A_194, %div3A_196 : vector<16xf32>
    %lt3A_215 = arith.constant 0.000000e+00 : f32
    %lt3A_216 = vector.broadcast %lt3A_215 : f32 to vector<16xf32>
    %lt3A_217 = arith.cmpf olt, %mul3A_214, %lt3A_216 : vector<16xf32>
    %not3A_218 = arith.constant dense<true> : vector<16xi1>
    %not3A_219 = arith.xori %le3A_209, %not3A_218 : vector<16xi1>
    %and3A_220 = arith.andi %lt3A_217, %not3A_219 : vector<16xi1>
    %abs3A_221 = math.absf %select_n3A_213 : vector<16xf32>
    %abs3A_222 = math.absf %div3A_194 : vector<16xf32>
    %mul3A_223 = arith.constant 3.000000e+00 : f32
    %mul3A_224 = vector.broadcast %mul3A_223 : f32 to vector<16xf32>
    %mul3A_225 = arith.mulf %mul3A_224, %abs3A_222 : vector<16xf32>
    %gt3A_226 = arith.cmpf ogt, %abs3A_221, %mul3A_225 : vector<16xf32>
    %and3A_227 = arith.andi %and3A_220, %gt3A_226 : vector<16xi1>
    %mul3A_228 = arith.constant 3.000000e+00 : f32
    %mul3A_229 = vector.broadcast %mul3A_228 : f32 to vector<16xf32>
    %mul3A_230 = arith.mulf %mul3A_229, %div3A_194 : vector<16xf32>
    %select_n3A_231 = arith.select %and3A_227, %mul3A_230, %select_n3A_213 : vector<16xi1>, vector<16xf32>
    %sub3A_232 = arith.constant 1 : i32
    %sub3A_233 = arith.subi %while3A_20, %sub3A_232 : i32
    %max3A_234 = arith.constant 0 : i32
    %max3A_235 = arith.maxsi %sub3A_233, %max3A_234 : i32
    %add3A_236 = vector.broadcast %max3A_235 : i32 to vector<16xi32>
    %add3A_237 = arith.addi %broadcast_in_dim3A_1, %add3A_236 : vector<16xi32>
    tpu.vector_store_idx %arg7[%add3A_237], %select_n3A_231 masked %eq3A_6 : memref<4096xf32, #tpu.memory_space<vmem>>[vector<16xi32>], vector<16xf32>, vector<16xi1>
    %eq3A_238 = arith.constant 2 : i32
    %eq3A_239 = arith.cmpi eq, %while3A_20, %eq3A_238 : i32
    %convert_element_type3A_240 = arith.extui %eq3A_239 : i1 to i32
    %cond3A = arith.constant 0 : i32
    %cond3A_241 = arith.cmpi ne, %convert_element_type3A_240, %cond3A : i32
    scf.if %cond3A_241 {
      %min3A_257 = arith.constant 1 : i32
      %min3A_258 = vector.broadcast %min3A_257 : i32 to vector<16xi32>
      %min3A_259 = arith.minsi %iota3A, %min3A_258 : vector<16xi32>
      %lt3A_260 = arith.constant 2 : i32
      %lt3A_261 = vector.broadcast %lt3A_260 : i32 to vector<16xi32>
      %lt3A_262 = arith.cmpi slt, %iota3A, %lt3A_261 : vector<16xi32>
      tpu.vector_store_idx %arg7[%min3A_259], %div3A masked %lt3A_262 : memref<4096xf32, #tpu.memory_space<vmem>>[vector<16xi32>], vector<16xf32>, vector<16xi1>
    } else {
    }
    %parallel_loop3A_242 = arith.constant 1 : i32
    scf.for %parallel_loop3A_257 = %shift_right_logical3A_76 to %add3A_82 step %parallel_loop3A_242  : i32 {
      %parallel_loop3A_258 = arith.constant 16 : i32
      %parallel_loop3A_259 = arith.muli %parallel_loop3A_257, %parallel_loop3A_258 : i32
      %parallel_loop3A_260 = vector.broadcast %parallel_loop3A_259 : i32 to vector<16xi32>
      %parallel_loop3A_261 = arith.addi %iota3A, %parallel_loop3A_260 : vector<16xi32>
      %parallel_loop3A_262 = arith.constant 1 : i32
      %parallel_loop3A_263 = vector.broadcast %parallel_loop3A_262 : i32 to vector<16xi32>
      %parallel_loop3A_264 = arith.addi %parallel_loop3A_261, %parallel_loop3A_263 : vector<16xi32>
      %parallel_loop3A_265 = arith.constant 4095 : i32
      %parallel_loop3A_266 = vector.broadcast %parallel_loop3A_265 : i32 to vector<16xi32>
      %parallel_loop3A_267 = arith.minsi %parallel_loop3A_264, %parallel_loop3A_266 : vector<16xi32>
      %parallel_loop3A_268 = arith.index_cast %parallel_loop3A_259 : i32 to index
      %parallel_loop3A_269 = tpu.vector_load %arg5[%parallel_loop3A_268] {strides = array<i32>} : memref<4096xf32, #tpu.memory_space<vmem>>, vector<16xf32>,
      %parallel_loop3A_270 = arith.index_cast %parallel_loop3A_259 : i32 to index
      %parallel_loop3A_271 = tpu.vector_load %arg6[%parallel_loop3A_270] {strides = array<i32>} : memref<4096xf32, #tpu.memory_space<vmem>>, vector<16xf32>,
      %parallel_loop3A_272 = arith.index_cast %parallel_loop3A_259 : i32 to index
      %parallel_loop3A_273 = tpu.vector_load %arg7[%parallel_loop3A_272] {strides = array<i32>} : memref<4096xf32, #tpu.memory_space<vmem>>, vector<16xf32>,
      %parallel_loop3A_274 = tpu.vector_load_idx %arg5[%parallel_loop3A_267] : memref<4096xf32, #tpu.memory_space<vmem>>[vector<16xi32>], vector<16xf32>,
      %parallel_loop3A_275 = tpu.vector_load_idx %arg6[%parallel_loop3A_267] : memref<4096xf32, #tpu.memory_space<vmem>>[vector<16xi32>], vector<16xf32>,
      %parallel_loop3A_276 = tpu.vector_load_idx %arg7[%parallel_loop3A_267] : memref<4096xf32, #tpu.memory_space<vmem>>[vector<16xi32>], vector<16xf32>,
      %parallel_loop3A_277 = arith.subf %parallel_loop3A_274, %parallel_loop3A_269 : vector<16xf32>
      %parallel_loop3A_278 = arith.subf %parallel_loop3A_275, %parallel_loop3A_271 : vector<16xf32>
      %parallel_loop3A_279 = arith.mulf %parallel_loop3A_277, %parallel_loop3A_273 : vector<16xf32>
      %parallel_loop3A_280 = arith.mulf %parallel_loop3A_277, %parallel_loop3A_276 : vector<16xf32>
      %parallel_loop3A_281 = arith.index_cast %parallel_loop3A_259 : i32 to index
      %parallel_loop3A_282 = tpu.vector_load %arg12[%parallel_loop3A_281] {strides = array<i32>} : memref<4096xf32, #tpu.memory_space<vmem>>, vector<16xf32>,
      tpu.vector_store %arg12[%parallel_loop3A_281], %parallel_loop3A_274 {strides = array<i32>} : memref<4096xf32, #tpu.memory_space<vmem>>, vector<16xf32>,
      %parallel_loop3A_283 = arith.constant 1.000000e+00 : f32
      %parallel_loop3A_284 = vector.broadcast %parallel_loop3A_283 : f32 to vector<16xf32>
      %parallel_loop3A_285 = arith.divf %parallel_loop3A_284, %parallel_loop3A_277 : vector<16xf32>
      %parallel_loop3A_286 = arith.index_cast %parallel_loop3A_259 : i32 to index
      %parallel_loop3A_287 = tpu.vector_load %arg13[%parallel_loop3A_286] {strides = array<i32>} : memref<4096xf32, #tpu.memory_space<vmem>>, vector<16xf32>,
      tpu.vector_store %arg13[%parallel_loop3A_286], %parallel_loop3A_285 {strides = array<i32>} : memref<4096xf32, #tpu.memory_space<vmem>>, vector<16xf32>,
      %parallel_loop3A_288 = arith.index_cast %parallel_loop3A_259 : i32 to index
      %parallel_loop3A_289 = tpu.vector_load %arg14[%parallel_loop3A_288] {strides = array<i32>} : memref<4096xf32, #tpu.memory_space<vmem>>, vector<16xf32>,
      tpu.vector_store %arg14[%parallel_loop3A_288], %parallel_loop3A_279 {strides = array<i32>} : memref<4096xf32, #tpu.memory_space<vmem>>, vector<16xf32>,
      %parallel_loop3A_290 = arith.constant 3.000000e+00 : f32
      %parallel_loop3A_291 = vector.broadcast %parallel_loop3A_290 : f32 to vector<16xf32>
      %parallel_loop3A_292 = arith.mulf %parallel_loop3A_291, %parallel_loop3A_278 : vector<16xf32>
      %parallel_loop3A_293 = arith.constant 2.000000e+00 : f32
      %parallel_loop3A_294 = vector.broadcast %parallel_loop3A_293 : f32 to vector<16xf32>
      %parallel_loop3A_295 = arith.mulf %parallel_loop3A_294, %parallel_loop3A_279 : vector<16xf32>
      %parallel_loop3A_296 = arith.subf %parallel_loop3A_292, %parallel_loop3A_295 : vector<16xf32>
      %parallel_loop3A_297 = arith.subf %parallel_loop3A_296, %parallel_loop3A_280 : vector<16xf32>
      %parallel_loop3A_298 = arith.index_cast %parallel_loop3A_259 : i32 to index
      %parallel_loop3A_299 = tpu.vector_load %arg15[%parallel_loop3A_298] {strides = array<i32>} : memref<4096xf32, #tpu.memory_space<vmem>>, vector<16xf32>,
      tpu.vector_store %arg15[%parallel_loop3A_298], %parallel_loop3A_297 {strides = array<i32>} : memref<4096xf32, #tpu.memory_space<vmem>>, vector<16xf32>,
      %parallel_loop3A_300 = arith.addf %parallel_loop3A_279, %parallel_loop3A_280 : vector<16xf32>
      %parallel_loop3A_301 = arith.constant 2.000000e+00 : f32
      %parallel_loop3A_302 = vector.broadcast %parallel_loop3A_301 : f32 to vector<16xf32>
      %parallel_loop3A_303 = arith.mulf %parallel_loop3A_302, %parallel_loop3A_278 : vector<16xf32>
      %parallel_loop3A_304 = arith.subf %parallel_loop3A_300, %parallel_loop3A_303 : vector<16xf32>
      %parallel_loop3A_305 = arith.index_cast %parallel_loop3A_259 : i32 to index
      %parallel_loop3A_306 = tpu.vector_load %arg16[%parallel_loop3A_305] {strides = array<i32>} : memref<4096xf32, #tpu.memory_space<vmem>>, vector<16xf32>,
      tpu.vector_store %arg16[%parallel_loop3A_305], %parallel_loop3A_304 {strides = array<i32>} : memref<4096xf32, #tpu.memory_space<vmem>>, vector<16xf32>,
    } {sc.loop_unroll_factor = 1 : i64, sc.parallel_access}
    %add3A_243 = vector.broadcast %max3A_27 : i32 to vector<16xi32>
    %add3A_244 = arith.addi %broadcast_in_dim3A_1, %add3A_243 : vector<16xi32>
    %ge3A_245 = arith.constant 2 : i32
    %ge3A_246 = arith.cmpi sge, %while3A_20, %ge3A_245 : i32
    %convert_element_type3A_247 = arith.extui %ge3A_246 : i1 to i32
    %add3A_248 = vector.broadcast %convert_element_type3A_247 : i32 to vector<16xi32>
    %add3A_249 = arith.addi %broadcast_in_dim3A_1, %add3A_248 : vector<16xi32>
    %eq3A_250 = arith.constant 1 : i32
    %eq3A_251 = vector.broadcast %eq3A_250 : i32 to vector<16xi32>
    %eq3A_252 = arith.cmpi eq, %add3A_249, %eq3A_251 : vector<16xi32>
    %parallel_loop3A_253 = arith.constant 0 : i32
    %parallel_loop3A_254 = arith.constant 2048 : i32
    %parallel_loop3A_255 = arith.constant 1 : i32
    %parallel_loop3A_256 = arith.constant 0x497FFFF0 : f32
    scf.for %parallel_loop3A_257 = %parallel_loop3A_253 to %parallel_loop3A_254 step %parallel_loop3A_255  : i32 {
      %parallel_loop3A_258 = arith.constant 16 : i32
      %parallel_loop3A_259 = arith.muli %parallel_loop3A_257, %parallel_loop3A_258 : i32
      %parallel_loop3A_260 = arith.addi %mul3A_25, %parallel_loop3A_259 : i32
      %parallel_loop3A_261 = arith.constant 4095 : i32
      %parallel_loop3A_262 = arith.muli %parallel_loop3A_260, %parallel_loop3A_261 : i32
      %parallel_loop3A_263 = vector.broadcast %parallel_loop3A_262 : i32 to vector<16xi32>
      %parallel_loop3A_264 = arith.addi %broadcast_in_dim3A_1, %parallel_loop3A_263 : vector<16xi32>
      %parallel_loop3A_265 = arith.addi %parallel_loop3A_264, %mul3A_4 : vector<16xi32>
      %parallel_loop3A_266 = arith.constant 20 : i32
      %parallel_loop3A_267 = vector.broadcast %parallel_loop3A_266 : i32 to vector<16xi32>
      %parallel_loop3A_268 = arith.shrui %parallel_loop3A_265, %parallel_loop3A_267 : vector<16xi32>
      %parallel_loop3A_269 = arith.constant 1048575 : i32
      %parallel_loop3A_270 = vector.broadcast %parallel_loop3A_269 : i32 to vector<16xi32>
      %parallel_loop3A_271 = arith.andi %parallel_loop3A_265, %parallel_loop3A_270 : vector<16xi32>
      %parallel_loop3A_272 = arith.addi %parallel_loop3A_268, %parallel_loop3A_271 : vector<16xi32>
      %parallel_loop3A_273 = arith.constant 1048575 : i32
      %parallel_loop3A_274 = vector.broadcast %parallel_loop3A_273 : i32 to vector<16xi32>
      %parallel_loop3A_275 = arith.cmpi sge, %parallel_loop3A_272, %parallel_loop3A_274 : vector<16xi32>
      %parallel_loop3A_276 = arith.constant 1048575 : i32
      %parallel_loop3A_277 = vector.broadcast %parallel_loop3A_276 : i32 to vector<16xi32>
      %parallel_loop3A_278 = arith.subi %parallel_loop3A_272, %parallel_loop3A_277 : vector<16xi32>
      %parallel_loop3A_279 = arith.select %parallel_loop3A_275, %parallel_loop3A_278, %parallel_loop3A_272 : vector<16xi1>, vector<16xi32>
      %parallel_loop3A_280 = arith.constant 1 : i32
      %parallel_loop3A_281 = vector.broadcast %parallel_loop3A_280 : i32 to vector<16xi32>
      %parallel_loop3A_282 = arith.addi %parallel_loop3A_268, %parallel_loop3A_281 : vector<16xi32>
      %parallel_loop3A_283 = arith.select %parallel_loop3A_275, %parallel_loop3A_282, %parallel_loop3A_268 : vector<16xi1>, vector<16xi32>
      %parallel_loop3A_284 = arith.sitofp %parallel_loop3A_279 : vector<16xi32> to vector<16xf32>
      %parallel_loop3A_285 = vector.broadcast %parallel_loop3A_256 : f32 to vector<16xf32>
      %parallel_loop3A_286 = arith.divf %parallel_loop3A_284, %parallel_loop3A_285 : vector<16xf32>
      %parallel_loop3A_287 = tpu.vector_load_idx %arg8[%parallel_loop3A_283] : memref<4096xi32, #tpu.memory_space<vmem>>[vector<16xi32>], vector<16xi32>,
      %parallel_loop3A_288 = arith.constant 0 : i64
      %parallel_loop3A_289 = arith.trunci %parallel_loop3A_288 : i64 to i32
      %parallel_loop3A_290 = vector.broadcast %parallel_loop3A_289 : i32 to vector<16xi32>
      %parallel_loop3A_291 = arith.maxsi %parallel_loop3A_290, %parallel_loop3A_287 : vector<16xi32>
      %parallel_loop3A_292 = arith.minsi %add3A_244, %parallel_loop3A_291 : vector<16xi32>
      %parallel_loop3A_293 = tpu.vector_load_idx %arg5[%parallel_loop3A_292] : memref<4096xf32, #tpu.memory_space<vmem>>[vector<16xi32>], vector<16xf32>,
      %parallel_loop3A_294 = tpu.vector_load_idx %arg12[%parallel_loop3A_292] : memref<4096xf32, #tpu.memory_space<vmem>>[vector<16xi32>], vector<16xf32>,
      %parallel_loop3A_295 = tpu.vector_load_idx %arg6[%parallel_loop3A_292] : memref<4096xf32, #tpu.memory_space<vmem>>[vector<16xi32>], vector<16xf32>,
      %parallel_loop3A_296 = tpu.vector_load_idx %arg14[%parallel_loop3A_292] : memref<4096xf32, #tpu.memory_space<vmem>>[vector<16xi32>], vector<16xf32>,
      %parallel_loop3A_297 = tpu.vector_load_idx %arg15[%parallel_loop3A_292] : memref<4096xf32, #tpu.memory_space<vmem>>[vector<16xi32>], vector<16xf32>,
      %parallel_loop3A_298 = tpu.vector_load_idx %arg16[%parallel_loop3A_292] : memref<4096xf32, #tpu.memory_space<vmem>>[vector<16xi32>], vector<16xf32>,
      %parallel_loop3A_299 = tpu.vector_load_idx %arg13[%parallel_loop3A_292] : memref<4096xf32, #tpu.memory_space<vmem>>[vector<16xi32>], vector<16xf32>,
      %parallel_loop3A_300 = arith.sitofp %parallel_loop3A_283 : vector<16xi32> to vector<16xf32>
      %parallel_loop3A_301 = arith.subf %parallel_loop3A_300, %parallel_loop3A_293 : vector<16xf32>
      %parallel_loop3A_302 = arith.addf %parallel_loop3A_301, %parallel_loop3A_286 : vector<16xf32>
      %parallel_loop3A_303 = arith.mulf %parallel_loop3A_302, %parallel_loop3A_299 : vector<16xf32>
      %parallel_loop3A_304 = arith.mulf %parallel_loop3A_298, %parallel_loop3A_303 : vector<16xf32>
      %parallel_loop3A_305 = arith.addf %parallel_loop3A_304, %parallel_loop3A_297 : vector<16xf32>
      %parallel_loop3A_306 = arith.mulf %parallel_loop3A_305, %parallel_loop3A_303 : vector<16xf32>
      %parallel_loop3A_307 = arith.addf %parallel_loop3A_306, %parallel_loop3A_296 : vector<16xf32>
      %parallel_loop3A_308 = arith.mulf %parallel_loop3A_307, %parallel_loop3A_303 : vector<16xf32>
      %parallel_loop3A_309 = arith.addf %parallel_loop3A_308, %parallel_loop3A_295 : vector<16xf32>
      %parallel_loop3A_310 = arith.addf %parallel_loop3A_300, %parallel_loop3A_286 : vector<16xf32>
      %parallel_loop3A_311 = arith.fptosi %parallel_loop3A_310 : vector<16xf32> to vector<16xi32>
      %parallel_loop3A_312 = arith.sitofp %parallel_loop3A_311 : vector<16xi32> to vector<16xf32>
      %parallel_loop3A_313 = arith.subf %parallel_loop3A_310, %parallel_loop3A_312 : vector<16xf32>
      %parallel_loop3A_314 = arith.constant 5.000000e-01 : f32
      %parallel_loop3A_315 = vector.broadcast %parallel_loop3A_314 : f32 to vector<16xf32>
      %parallel_loop3A_316 = arith.cmpf ogt, %parallel_loop3A_313, %parallel_loop3A_315 : vector<16xf32>
      %parallel_loop3A_317 = arith.constant 5.000000e-01 : f32
      %parallel_loop3A_318 = vector.broadcast %parallel_loop3A_317 : f32 to vector<16xf32>
      %parallel_loop3A_319 = arith.cmpf oeq, %parallel_loop3A_313, %parallel_loop3A_318 : vector<16xf32>
      %parallel_loop3A_320 = arith.constant 1 : i32
      %parallel_loop3A_321 = vector.broadcast %parallel_loop3A_320 : i32 to vector<16xi32>
      %parallel_loop3A_322 = arith.andi %parallel_loop3A_311, %parallel_loop3A_321 : vector<16xi32>
      %parallel_loop3A_323 = arith.constant 1 : i32
      %parallel_loop3A_324 = vector.broadcast %parallel_loop3A_323 : i32 to vector<16xi32>
      %parallel_loop3A_325 = arith.cmpi eq, %parallel_loop3A_322, %parallel_loop3A_324 : vector<16xi32>
      %parallel_loop3A_326 = arith.andi %parallel_loop3A_319, %parallel_loop3A_325 : vector<16xi1>
      %parallel_loop3A_327 = arith.ori %parallel_loop3A_316, %parallel_loop3A_326 : vector<16xi1>
      %parallel_loop3A_328 = arith.extui %parallel_loop3A_327 : vector<16xi1> to vector<16xi32>
      %parallel_loop3A_329 = arith.addi %parallel_loop3A_311, %parallel_loop3A_328 : vector<16xi32>
      %parallel_loop3A_330 = arith.sitofp %parallel_loop3A_329 : vector<16xi32> to vector<16xf32>
      %parallel_loop3A_331 = arith.cmpf oeq, %parallel_loop3A_330, %parallel_loop3A_293 : vector<16xf32>
      %parallel_loop3A_332 = arith.cmpf oeq, %parallel_loop3A_330, %parallel_loop3A_294 : vector<16xf32>
      %parallel_loop3A_333 = arith.ori %parallel_loop3A_331, %parallel_loop3A_332 : vector<16xi1>
      %parallel_loop3A_334 = arith.andi %parallel_loop3A_333, %eq3A_252 : vector<16xi1>
      %parallel_loop3A_335 = arith.constant 0.000000e+00 : f32
      %parallel_loop3A_336 = vector.broadcast %parallel_loop3A_335 : f32 to vector<16xf32>
      %parallel_loop3A_337 = arith.cmpf ogt, %parallel_loop3A_309, %parallel_loop3A_336 : vector<16xf32>
      %parallel_loop3A_338 = arith.andi %parallel_loop3A_334, %parallel_loop3A_337 : vector<16xi1>
      %parallel_loop3A_339 = arith.constant 0.000000e+00 : f64
      %parallel_loop3A_340 = arith.truncf %parallel_loop3A_339 : f64 to f32
      %parallel_loop3A_341 = vector.broadcast %parallel_loop3A_340 : f32 to vector<16xf32>
      %parallel_loop3A_342 = arith.select %parallel_loop3A_338, %parallel_loop3A_309, %parallel_loop3A_341 : vector<16xi1>, vector<16xf32>
      %parallel_loop3A_343 = arith.constant 16 : i32
      %parallel_loop3A_344 = arith.muli %parallel_loop3A_257, %parallel_loop3A_343 : i32
      %parallel_loop3A_345 = arith.index_cast %parallel_loop3A_344 : i32 to index
      %parallel_loop3A_346 = tpu.vector_load %arg11[%parallel_loop3A_345] {strides = array<i32>} : memref<32768xf32, #tpu.memory_space<vmem>>, vector<16xf32>,
      tpu.vector_store %arg11[%parallel_loop3A_345], %parallel_loop3A_342 {strides = array<i32>} : memref<32768xf32, #tpu.memory_space<vmem>>, vector<16xf32>,
    } {sc.loop_unroll_factor = 4 : i64, sc.parallel_access}
    "tpu.region"() ({
      %run_scoped3A = tpu.sem_alloc : memref<!tpu.dma_semaphore, #tpu.memory_space<semaphore_mem>>
      %dma_start3A = tpu.memref_slice %arg3[%mul3A_25] : memref<1048576xf32, #tpu.memory_space<hbm>> -> memref<32768xf32, #tpu.memory_space<hbm>>
      %dma_start3A_257 = tpu.memref_slice %arg3[%mul3A_25] : memref<1048576xf32, #tpu.memory_space<hbm>> -> memref<32768xf32, #tpu.memory_space<hbm>>
      tpu.enqueue_dma source(%arg11 : memref<32768xf32, #tpu.memory_space<vmem>>) target(%dma_start3A_257 : memref<32768xf32, #tpu.memory_space<hbm>>) target_semaphore(%run_scoped3A : memref<!tpu.dma_semaphore, #tpu.memory_space<semaphore_mem>>)
      %dma_wait3A = tpu.memref_slice %arg3[%mul3A_25] : memref<1048576xf32, #tpu.memory_space<hbm>> -> memref<32768xf32, #tpu.memory_space<hbm>>
      %dma_wait3A_258 = tpu.memref_slice %arg3[%mul3A_25] : memref<1048576xf32, #tpu.memory_space<hbm>> -> memref<32768xf32, #tpu.memory_space<hbm>>
      tpu.wait_dma2 semaphore(%run_scoped3A : memref<!tpu.dma_semaphore, #tpu.memory_space<semaphore_mem>>) src(%arg11 : memref<32768xf32, #tpu.memory_space<vmem>>) dst(%dma_wait3A_258 : memref<32768xf32, #tpu.memory_space<hbm>>)
      tpu.yield
    }) : () -> ()
    return
  }
}

</mosaic_0001>

<sc_bundles>
// kernel: kernel.3.cloned.1.call-start
scs
__scs_entry_jumppad:
0x0: {  	(pc) =	sbr.rel $0x88, $3  }
0x1: {  	(tag) =	ssettag $0x0;
	lr =	simm.s32 $0x1  }
0x2: {  	[smem:$0x3FA0] =	sst lr;
	_ =	strace $0xD0000000  }
0x3: {  	_ = 	snop  }
0x4: {  	_ = 	snop  }
0x5: {  	_ = 	snop  }
0x6: {  	_ = 	snop  }
0x7: {  	_ = 	snop  }
__scs_overlays_trampoline_lowered:
0x8: {  	[smem:$0x3FAF] =	sst s0  }
0x9: {  	[smem:$0x3FB0] =	sst s1  }
0xa: {  	[smem:$0x3FB1] =	sst s2  }
0xb: {  	[smem:$0x3FB2] =	sst s3  }
0xc: {  	[smem:$0x3FB3] =	sst s4  }
0xd: {  	[smem:$0x3FB4] =	sst s5  }
0xe: {  	[smem:$0x3FB5] =	sst s6  }
0xf: {  	[smem:$0x3FB6] =	sst s7  }
0x10: {  	[smem:$0x3FB7] =	sst s8  }
0x11: {  	[smem:$0x3FB8] =	sst s9;
	s0 =	simm.s32 @!p0 $0x0  }
0x12: {  	s1 =	sld [smem:$0x3F9E];
	s0 =	simm.s32 @p0 $0x1  }
0x13: {  	[smem:$0x3FB9] =	sst s0;
	s0 =	simm.s32 @!p1 $0x0  }
0x14: {  	s2 =	sld [smem:$0x3F9D];
	s0 =	simm.s32 @p1 $0x1  }
0x15: {  	[smem:$0x3FBA] =	sst s0;
	s0 =	simm.s32 @!p2 $0x0  }
0x16: {  	s3 =	sld [smem:$0x3FDB];
	s0 =	simm.s32 @p2 $0x1  }
0x17: {  	s4 =	simm.s32 $0x1BF5;
	[smem:$0x3FBC] =	sst s0  }
0x18: {  	s0 =	sld [smem:$0x3F9F];
	_ =	swait.ge [sflag:s4], $0x0  }
0x19: {  	s7 =	sld [smem:$0x3FA0]  }
0x1a: {  	s8 =	sadd.s32 $0xFFFFE003, lr  }
0x1b: {  	s9 =	sadd.s32 $0xFFFFFEF7, lr;
	s5 =	simm.s32 $0xFFFFFFFF;
	p2 =	slt.u32 s8, $0xFFFFF086  }
0x1c: {  	p1 =	slt.u32 s9, $0xF7A;
	s5 =	simm.s32 @!p2 $0x0  }
0x1d: {  	s5 =	simm.s32 @p1 $0x1;
	p0 =	seq.s32 s7, s2  }
0x1e: {  	s7 =	smul.u32 @!p0 $0xF7A, s2;
	p2 =	seq.s32 @!p0 s5, $0x0  }
0x1f: {  	s9 =	smul.u32 $0xF7A, s1;
	s8 =	simm.s32 @!p0 $0x1BF5;
	p2 =	por !p2, p0  }
0x20: {  	[sflag:s8] =	ssyncset.s32 @!p0 $0xFFFFF086;
	s6 =	sadd.s32 @!p0 s3, s7;
	s7 =	simm.s32 @!p0 $0x108  }
0x21: {  	s3 =	sadd.s32 s3, s9;
	s6 =	sadd.s32 @!p0 $0x88, s6;
	s7 =	simm.s32 @p2 $0x1082  }
0x22: {  	[simem:s7], [sflag:s8] =	dma.local @!p0 [hbm:s6], $0xF7A  }
0x23: {  	s9 =	sor.u32 $0xD0000000, s2;
	s6 =	simm.s32 $0x108;
	_ =	swait.ge @!p0 [sflag:s8], $0x0  }
0x24: {  	s3 =	sadd.s32 $0x88, s3;
	s6 =	simm.s32 @!p1 $0x1082;
	[sflag:s4] =	ssyncset.s32 $0xFFFFF086  }
0x25: {  	[simem:s6], [sflag:s4] =	dma.local [hbm:s3], $0xF7A  }
0x26: {  	[smem:$0x3FA0] =	sst s1;
	(tag) =	ssettag s2;
	_ =	strace s9  }
0x27: {  	s1 =	sld [smem:$0x3FB0]  }
0x28: {  	s2 =	sld [smem:$0x3FB1]  }
0x29: {  	s4 =	sld [smem:$0x3FB3]  }
0x2a: {  	p0 =	seq.s32 s5, $0x0;
	s5 =	sld [smem:$0x3FB4]  }
0x2b: {  	s6 =	sld [smem:$0x3FB5]  }
0x2c: {  	s7 =	sld [smem:$0x3FB6]  }
0x2d: {  	s3 =	simm.s32 $0x108;
	s8 =	sld [smem:$0x3FB7]  }
0x2e: {  	s3 =	simm.s32 @!p0 $0x1082;
	s9 =	sld [smem:$0x3FB8]  }
0x2f: {  	lr =	sadd.s32 s0, s3;
	s0 =	sld [smem:$0x3FAF]  }
0x30: {  	s3 =	sld [smem:$0x3FB2]  }
0x31: {  	[smem:$0x3FBB] =	sst s10  }
0x32: {  	s10 =	sld [smem:$0x3FB9];
	_ =	sdelay $0x3  }
0x33: {  	p0 =	seq.s32 s10, $0x1;
	s10 =	sld [smem:$0x3FBB];
	_ =	sdelay $0x3  }
0x34: {  	[smem:$0x3FBB] =	sst s10  }
0x35: {  	s10 =	sld [smem:$0x3FBA];
	_ =	sdelay $0x3  }
0x36: {  	p1 =	seq.s32 s10, $0x1;
	s10 =	sld [smem:$0x3FBB];
	_ =	sdelay $0x3  }
0x37: {  	[smem:$0x3FBB] =	sst s10  }
0x38: {  	s10 =	sld [smem:$0x3FBC]  }
0x39: {  	_ = 	snop;
	(pc) =	sbr.ind lr, $3  }
0x3a: {  	_ = 	snop  }
0x3b: {  	_ = 	snop  }
0x3c: {  	p2 =	seq.s32 s10, $0x1;
	s10 =	sld [smem:$0x3FBB]  }
0x3d: {  	_ =	shalt  }
0x3e: {  	_ =	shalt  }
0x3f: {  	_ =	shalt  }
0x40: {  	_ =	shalt  }
0x41: {  	_ =	shalt  }
0x42: {  	_ =	shalt  }
0x43: {  	_ =	shalt  }
0x44: {  	_ =	shalt  }
0x45: {  	_ =	shalt  }
0x46: {  	_ =	shalt  }
0x47: {  	_ =	shalt  }
0x48: {  	_ =	shalt  }
0x49: {  	_ =	shalt  }
0x4a: {  	_ =	shalt  }
0x4b: {  	_ =	shalt  }
0x4c: {  	_ =	shalt  }
0x4d: {  	_ =	shalt  }
0x4e: {  	_ =	shalt  }
0x4f: {  	_ =	shalt  }
0x50: {  	_ =	shalt  }
0x51: {  	_ =	shalt  }
0x52: {  	_ =	shalt  }
0x53: {  	_ =	shalt  }
0x54: {  	_ =	shalt  }
0x55: {  	_ =	shalt  }
0x56: {  	_ =	shalt  }
0x57: {  	_ =	shalt  }
0x58: {  	_ =	shalt  }
0x59: {  	_ =	shalt  }
0x5a: {  	_ =	shalt  }
0x5b: {  	_ =	shalt  }
0x5c: {  	_ =	shalt  }
0x5d: {  	_ =	shalt  }
0x5e: {  	_ =	shalt  }
0x5f: {  	_ =	shalt  }
0x60: {  	_ =	shalt  }
0x61: {  	_ =	shalt  }
0x62: {  	_ =	shalt  }
0x63: {  	_ =	shalt  }
0x64: {  	_ =	shalt  }
0x65: {  	_ =	shalt  }
0x66: {  	_ =	shalt  }
0x67: {  	_ =	shalt  }
0x68: {  	_ =	shalt  }
0x69: {  	_ =	shalt  }
0x6a: {  	_ =	shalt  }
0x6b: {  	_ =	shalt  }
0x6c: {  	_ =	shalt  }
0x6d: {  	_ =	shalt  }
0x6e: {  	_ =	shalt  }
0x6f: {  	_ =	shalt  }
0x70: {  	_ =	shalt  }
0x71: {  	_ =	shalt  }
0x72: {  	_ =	shalt  }
0x73: {  	_ =	shalt  }
0x74: {  	_ =	shalt  }
0x75: {  	_ =	shalt  }
0x76: {  	_ =	shalt  }
0x77: {  	_ =	shalt  }
0x78: {  	_ =	shalt  }
0x79: {  	_ =	shalt  }
0x7a: {  	_ =	shalt  }
0x7b: {  	_ =	shalt  }
0x7c: {  	_ =	shalt  }
0x7d: {  	_ =	shalt  }
0x7e: {  	_ =	shalt  }
0x7f: {  	_ =	shalt  }
0x80: {  	_ =	shalt  }
0x81: {  	_ =	shalt  }
0x82: {  	_ =	shalt  }
0x83: {  	_ =	shalt  }
0x84: {  	_ =	shalt  }
0x85: {  	_ =	shalt  }
0x86: {  	_ =	shalt  }
0x87: {  	_ =	shalt  }
.Lfunc_end0:
.L_simem_size_0:
called_computation_lowered:
.L_overlay_start_0:
0x88: {  	s2 =	sld [smem:$0x3FD9]  }
0x89: {  	s3 =	sld [smem:$0x3FFE];
	_ =	sdelay $0x1  }
0x8a: {  	s1 =	srdreg.scid  }
0x8b: {  	s0 =	sand.u32 $0x1, s1  }
0x8c: {  	s18 =	sshll.u32 s0, $0xA;
	s2 =	sadd.s32 s3, s2  }
0x8d: {  	s2 =	sadd.s32 s2, s18  }
0x8e: {  	[smem:$0x3FC7] =	sst s2  }
0x8f: {  	_ = 	snop  }
0x90: {  	s2 =	sld [smem:$0x3FC9]  }
0x91: {  	s19 =	sld [smem:$0x3FD0];
	(tm) =	ssettm $0x1  }
0x92: {  	s4 =	sld [smem:$0x3FFB];
	_ =	sdelay $0x3  }
0x93: {  	_ =	strace s4  }
0x94: {  	s4 =	sld [smem:$0x3FFC];
	_ =	sdelay $0x3  }
0x95: {  	_ =	strace s4  }
0x96: {  	s4 =	sld [smem:$0x3FFD];
	_ =	sdelay $0x3  }
0x97: {  	_ =	strace s4  }
0x98: {  	_ =	strace $0x8FFFFFFF  }
0x99: {  	s20 =	sld [smem:$0x3FDB];
	_ =	sdelay $0x1  }
0x9a: {  	s5 =	simm.s32 $_scs_section_size  }
0x9b: {  	s6 =	simm.s32 $_size__tile_overlayer_lowered;
	s7 =	simm.s32 $_tile_overlayer_lowered  }
0x9c: {  	s23 =	simm.s32 $0x1BFF;
	s22 =	sshll.u32 s7, $0x1;
	s4 =	sadd.s32 s5, s20  }
0x9d: {  	s8 =	simm.s32 $0x0;
	s21 =	sshll.u32 s6, $0x1;
	s6 =	sadd.s32 s22, s4  }
0x9e: {  	[timem:s8], [sflag:s23] =	dma.local [hbm:s6], s21  }
0x9f: {  	_ =	swait.ge [sflag:s23], s21  }
0xa0: {  	s5 =	ssub.s32 $0x0, s21;
	[sflag:s23] =	ssyncset.done $0x0  }
0xa1: {  	[sflag:s23] =	ssyncadd.s32 s5;
	_ =	sdelay $0x1  }
0xa2: {  	s24 =	simm.s32 $0x1B8B  }
0xa3: {  	_ =	swait.ge [sflag:s24], $0x1  }
0xa4: {  	[sflag:s24] =	ssyncset.done $0x0  }
0xa5: {  	s25 =	simm.s32 $0x1B8E;
	[sflag:s24] =	ssyncadd.s32 $0xFFFFFFFF  }
0xa6: {  	s26 =	simm.s32 $execute0_lowered;
	[smem:$0x3FD2] =	sst s25  }
0xa7: {  	s5 =	sshll.u32 s26, $0x1;
	_ =	strace $0x80000046;
	[dreg:$0x1] =	wrdreg $0xFFFFFFFF  }
0xa8: {  	s28 =	simm.s32 $_size_execute0_lowered;
	s4 =	sadd.s32 s4, s5;
	[dreg:$0x0] =	wrdreg $0x0  }
0xa9: {  	s5 =	sshll.u32 s28, $0x1;
	[dreg:$0x2] =	wrdreg s4  }
0xaa: {  	[dreg:$0x3] =	wrdreg s5  }
0xab: {  	[dreg:$0x4] =	wrdreg $0xC0  }
0xac: {  	_ =	task [dreg:s8], $0x5FFFF  }
0xad: {  	[dreg:$0x1] =	wrdreg $0xFFFFFFFF  }
0xae: {  	[dreg:$0x0] =	wrdreg $0x60  }
0xaf: {  	[dreg:$0x2] =	wrdreg s2  }
0xb0: {  	[dreg:$0x3] =	wrdreg s19  }
0xb1: {  	[dreg:$0x4] =	wrdreg $0x9  }
0xb2: {  	_ =	task.clear_ibuf [dreg:s8], $0x5FFFF;
	_ =	strace $0x90000046  }
0xb3: {  	s29 =	simm.s32 $0x9;
	_ =	strace $0x80000048  }
0xb4: {  	_ =	swait.ge [sflag:s29], $0x1  }
0xb5: {  	[sflag:s29] =	ssyncadd.s32 $0xFFFFFFFF  }
0xb6: {  	_ =	strace $0x90000048  }
0xb7: {  	_ =	sfence  }
0xb8: {  	s30 =	sld [smem:$0x0];
	_ =	sdelay $0x2  }
0xb9: {  	s31 =	sshll.u32 s1, $0xD;
	s1 =	sshrl.u32 s1, $0x2  }
0xba: {  	s3 =	sand.u32 $0x4000, s31;
	s1 =	sadd.s32 s1, s30  }
0xbb: {  	s0 =	sor.u32 s3, s0;
	s1 =	sshll.u32 s1, $0x11  }
0xbc: {  	s0 =	sor.u32 s1, s0  }
0xbd: {  	s0 =	sadd.s32 $0x8F2B, s0  }
0xbe: {  	[sflag:s0] =	ssyncadd.remote.s32 $0x1  }
0xbf: {  	_ =	sfence.sel $0xFFFF  }
0xc0: {  	[dreg:$0x0] =	wrdreg $0xFFFFFFFF;
	(pc) =	sbr.abs _section_cstart, $3  }
0xc1: {  	[dreg:$0x1] =	wrdreg $0xFFFFFFFF  }
0xc2: {  	_ =	task.clear_ibuf [dreg:s8], $0x2FFFF;
	_ =	strace $0x9FFFFFFF  }
0xc3: {  	(tm) =	ssettm $0x7FFFFFFF  }
tec
execute0_lowered:
.L_overlay_start_1:
0x0: {  	(tag) =	ssettag $0x1  }
0x1: {  	s0 =	srdreg.scid  }
0x2: {  	s8 =	stileid.u32;
	s19 =	rddreg [dreg:$0x0]  }
0x3: {  	s2 =	rddreg [dreg:$0x1];
	s4 =	simm.s32 $0x0;
	s9 =	simm.s32 $0x5100  }
0x4: {  	s10 =	simm.s32 $0x1000;
	s11 =	simm.s32 $0x2000;
	s12 =	simm.s32 $0x4000  }
0x5: {  	s0 =	sand.u32 $0x1, s0;
	s1 =	sshll.u32 s8, $0x1;
	[smem:$0x7FF] =	sst s4  }
0x6: {  	v0 =	vimm.f32 $1.048575000e+06;
	s13 =	simm.s32 $0x3000;
	s1 =	sor.u32 s0, s1;
	_ =	strace $0x80000047  }
0x7: {  	s14 =	simm.s32 $0xD200;
	s15 =	simm.s32 $0xF200;
	s3 =	smul.u32 $0x7FF8000, s1;
	(erf) = vrcp.f32 v0  }
0x8: {  	s16 =	simm.s32 $0x10200;
	s17 =	simm.s32 $0x11200;
	s18 =	simm.s32 $0xE200  }
0x9: {  	s20 =	simm.s32 $0x0;
	s30 =	smul.u32 $0xFFF0000, s8;
	s5 =	sadd.s32 $0x7FF7001, s3  }
0xa: {  	s8 =	simm.s32 $0x5000;
	s7 =	sshrl.u32 s5, $0x14;
	s5 =	sand.u32 $0xFF001, s5  }
0xb: {  	s29 =	ssub.s32 $0x2, s0;
	s0 =	smul.u32 $0x7FF8000, s0;
	s5 =	sadd.s32 s5, s7  }
0xc: {  	s6 =	sshrl.u32 s29, $0x1;
	p0 =	sgt.u32 s5, $0xFFFFE;
	s5 =	simm.s32 $0x1  }
0xd: {  	v2 =	vimm.s32 $0x0;
	s1 =	sshll.u32 s1, $0xC;
	s4 =	ssub.s32 s29, s6;
	s5 =	simm.s32 @!p0 $0x0  }
0xe: {  	v3 =	vlaneseq.u32;
	v4 =	vimm.s32 $0x1;
	v6 =	vimm.s32 $0x2;
	s1 =	sadd.s32 s2, s1;
	s3 =	sshrl.u32 s3, $0x14;
	s5 =	sadd.s32 s5, s7  }
0xf: {  	v7 =	vmul.u32 $0xFFF, v3;
	s6 =	simm.s32 $0x1;
	[dreg:$0x3] =	wrdreg s1;
	s31 =	smax.u32 s4, $0x1;
	v0 =	vmov s3;
	v1 =	vmov s5  }
0x10: {  	vm0 =	vmxor vm0, vm0;
	[dreg:$0x4] =	wrdreg s31;
	v0 =	vbroadcast v0, $0x0;
	s7 =	sadd.s32 s0, s30;
	s5 =	simm.s32 $0x0;
	v1 =	vbroadcast v1, $0x0;
	v5 =	vpop (erf)  }
.LBB2_1:
0x11: {  	[tilespmem:s5], [sflag:$0x1] =	stream.linear.gather [hbm4b:s19+s5], $0x1000, $0x38;
	[tilespmem:$0x12200] =	vst v63  }
0x12: {  	_ =	swait.ge [sflag:s6], $0x1000  }
0x13: {  	[sflag:s6] =	ssyncset.done $0x0  }
0x14: {  	s0 =	simm.s32 $0x20;
	s1 =	simm.s32 $0x1;
	[sflag:s6] =	ssyncadd.s32 $0xFFFFF000  }
0x15: {  	s28 =	simm.s32 $0x2;
	v8 =	vmov s1;
	v9 =	vld [tilespmem:s0+$0xFFFFFFF0]  }
0x16: {  	v10 =	vmov s28;
	v8 =	vand.u32 $0xFFFFFFFD, v8;
	v12 =	vld [tilespmem:s0+$0x0]  }
0x17: {  	v16 =	vbroadcast v8, $0x0;
	v8 =	vand.u32 $0xFFFFFFFE, v10;
	v14 =	vld [tilespmem:s0+$0x10]  }
0x18: {  	s29 =	simm.s32 $0x5;
	v11 =	vmov s5;
	s30 =	simm.s32 $0x3;
	v18 =	vld [tilespmem:s0+$0xFFFFFFE0];
	v10 =	vbroadcast v8, $0x0  }
0x19: {  	v13 =	vand.u32 $0xFFFFFFFC, v11;
	v11 =	vmov s30;
	v8 =	vmov s29  }
0x1a: {  	s31 =	simm.s32 $0x6;
	s0 =	simm.s32 $0x60;
	v15 =	vand.u32 $0xFFFFFFFD, v8;
	v8 =	vbroadcast v13, $0x0;
	vm1 =	vgt.f32 v9, $0.0e+00  }
0x1b: {  	v17 =	vmov s31;
	v13 =	vld [tilespmem:s0+$0xFFFFFFF0];
	v19 =	vmpcnt.ones.xlane vm1;
	vm1 =	vgt.f32 v12, $0.0e+00  }
0x1c: {  	v9 =	vbroadcast v15, $0x0;
	vm2 =	vgt.f32 v14, $0.0e+00;
	v12 =	vld [tilespmem:s0+$0x0];
	v15 =	vmpcnt.ones.xlane vm1  }
0x1d: {  	s2 =	simm.s32 $0x4;
	s1 =	simm.s32 $0x8;
	v17 =	vand.u32 $0xFFFFFFFE, v17;
	v14 =	vld [tilespmem:s0+$0x10];
	vm1 =	vgt.f32 v18, $0.0e+00;
	[tilespmem:v16+s8+$0x0] =	vst.idx.msk $0x1, v19;
	v16 =	vmpcnt.ones.xlane vm2  }
.LBB2_2:
0x1e: {  	s3 =	sadd.s32 $0x1, s1;
	v18 =	vld [tilespmem:s0+$0xFFFFFFE0];
	v19 =	vmov s2;
	s2 =	sadd.s32 $0x3, s2;
	v20 =	vmpcnt.ones.xlane vm1;
	[tilespmem:v10+s8+$0x0] =	vst.idx.msk $0x1, v15;
	v10 =	vbroadcast v17, $0x0;
	p0 =	slt.u32 s1, $0xFC  }
.Ltmp0:
0x1f: {  	v15 =	vmov s3;
	v17 =	vand.u32 $0xFFFFFFFC, v19;
	[tilespmem:v11+s8+$0x0] =	vst.idx.msk $0x1, v16;
	v11 =	vmov s2;
	s2 =	smov.u32 s1;
	(pc) =	sbr.rel @p0 .LBB2_2-.Ltmp0, $4  }
0x20: {  	s0 =	sadd.s32 $0x40, s0;
	v15 =	vand.u32 $0xFFFFFFFD, v15;
	vm1 =	vgt.f32 v13, $0.0e+00;
	[tilespmem:v8+s8+$0x0] =	vst.idx.msk $0x1, v20;
	v8 =	vbroadcast v17, $0x0  }
0x21: {  	s1 =	sadd.s32 $0x4, s1;
	s3 =	sadd.s32 $0x2, s2;
	v13 =	vld [tilespmem:s0+$0xFFFFFFF0];
	v19 =	vbroadcast v15, $0x0;
	v16 =	vmpcnt.ones.xlane vm1;
	vm1 =	vgt.f32 v12, $0.0e+00  }
0x22: {  	v17 =	vmov s3;
	v12 =	vld [tilespmem:s0+$0x0];
	v15 =	vmpcnt.ones.xlane vm1;
	vm2 =	vgt.f32 v14, $0.0e+00  }
0x23: {  	v17 =	vand.u32 $0xFFFFFFFE, v17;
	v14 =	vld [tilespmem:s0+$0x10];
	vm1 =	vgt.f32 v18, $0.0e+00;
	[tilespmem:v9+s8+$0x0] =	vst.idx.msk $0x1, v16;
	v16 =	vmpcnt.ones.xlane vm2;
	v9 =	vmovc v19  }
0x24: {  	_ =	sdelay $0x1  }
0x25: {  	v18 =	vld [tilespmem:s0+$0xFFFFFFE0];
	v19 =	vmov s2;
	v17 =	vbroadcast v17, $0x0  }
0x26: {  	s30 =	sadd.s32 $0x3, s2;
	v20 =	vmpcnt.ones.xlane vm1;
	v19 =	vand.u32 $0xFFFFFFFC, v19  }
0x27: {  	[tilespmem:v10+s8+$0x0] =	vst.idx.msk $0x1, v15;
	v56 =	vmov s30;
	v57 =	vbroadcast v19, $0x0;
	vm1 =	vgt.f32 v13, $0.0e+00  }
0x28: {  	[tilespmem:v11+s8+$0x0] =	vst.idx.msk $0x1, v16;
	v58 =	vmpcnt.ones.xlane vm1;
	vm1 =	vgt.f32 v12, $0.0e+00  }
0x29: {  	[tilespmem:v8+s8+$0x0] =	vst.idx.msk $0x1, v20;
	v8 =	vmpcnt.ones.xlane vm1;
	vm1 =	vgt.f32 v14, $0.0e+00  }
0x2a: {  	vm2 =	vgt.f32 v18, $0.0e+00;
	[tilespmem:v9+s8+$0x0] =	vst.idx.msk $0x1, v58;
	v59 =	vmpcnt.ones.xlane vm1  }
0x2b: {  	v60 =	vmpcnt.ones.xlane vm2;
	[tilespmem:v17+s8+$0x0] =	vst.idx.msk $0x1, v8  }
0x2c: {  	[tilespmem:v56+s8+$0x0] =	vst.idx.msk $0x1, v59  }
0x2d: {  	s31 =	simm.s32 $0x0;
	[tilespmem:v57+s8+$0x0] =	vst.idx.msk $0x1, v60  }
0x2e: {  	v8 =	vld [tilespmem:s31+$0x5000];
	_ =	sdelay $0x4  }
0x2f: {  	(xrf0) =	vadd.scan.msk.s32 $0xffff, v8;
	_ =	sdelay $0x5  }
0x30: {  	s23 =	simm.s32 $0x0;
	v61, _, _ =	vpop (xrf0)  }
0x31: {  	v9 =	vadd.s32 s23, v61  }
0x32: {  	v62 =	vxor.u32 $0x80000000, v9  }
0x33: {  	(xrf0) =	vmax.scan.msk.u32 $0xffff, v62;
	_ =	sdelay $0x5  }
0x34: {  	v63, _, _ =	vpop (xrf0)  }
0x35: {  	(v2sf) =	vpush v63, $0xF;
	_ =	sdelay $0x2  }
0x36: {  	v8 =	vsub.s32 v9, v8  }
0x37: {  	s1 =	simm.s32 $0x10;
	s0 =	simm.s32 $0x80;
	[tilespmem:s31+$0x5100] =	vst v8  }
.LBB2_4:
0x38: {  	p0 =	sne.s32 s0, $0x3C0;
	v8 =	vld [tilespmem:s1+$0x5000];
	_ =	sdelay $0x4  }
0x39: {  	(xrf0) =	vadd.scan.msk.s32 $0xffff, v8;
	_ =	sdelay $0x4  }
0x3a: {  	s2 =	spop (v2sf)  }
0x3b: {  	v9, _, _ =	vpop (xrf0);
	s2 =	sxor.u32 $0x80000000, s2  }
0x3c: {  	v9 =	vadd.s32 s2, v9  }
0x3d: {  	v8 =	vsub.s32 v9, v8;
	v9 =	vxor.u32 $0x80000000, v9  }
0x3e: {  	[tilespmem:s1+$0x5100] =	vst v8;
	(xrf0) =	vmax.scan.msk.u32 $0xffff, v9;
	_ =	sdelay $0x5  }
0x3f: {  	v8, _, _ =	vpop (xrf0)  }
.Ltmp1:
0x40: {  	(v2sf) =	vpush v8, $0xF;
	(pc) =	sbr.rel @p0 .LBB2_4-.Ltmp1, $2  }
0x41: {  	_ =	sdelay $0x2  }
0x42: {  	s1 =	sshra.s32 s0, $0x2;
	s0 =	sadd.s32 $0x40, s0  }
0x43: {  	v8 =	vld [tilespmem:s1+$0x5000];
	_ =	sdelay $0x4  }
0x44: {  	(xrf0) =	vadd.scan.msk.s32 $0xffff, v8;
	_ =	sdelay $0x4  }
0x45: {  	s0 =	spop (v2sf)  }
0x46: {  	v9, _, _ =	vpop (xrf0);
	s0 =	sxor.u32 $0x80000000, s0  }
0x47: {  	v9 =	vadd.s32 s0, v9  }
0x48: {  	v8 =	vsub.s32 v9, v8  }
0x49: {  	s30 =	simm.s32 $0x20;
	[tilespmem:s1+$0x5100] =	vst v8  }
0x4a: {  	s31 =	simm.s32 $0x2;
	v14 =	vld [tilespmem:s30+$0x0]  }
0x4b: {  	v8 =	vmov s31  }
0x4c: {  	v17 =	vld [tilespmem:s30+$0xFFFFFFF0];
	v8 =	vand.u32 $0xFFFFFFFE, v8  }
0x4d: {  	s2 =	simm.s32 $0x1;
	v10 =	vxor.u32 $0x80000000, v9;
	v9 =	vld [tilespmem:s30+$0xFFFFFFE0];
	v13 =	vbroadcast v8, $0x0  }
0x4e: {  	v11 =	vmov s2  }
0x4f: {  	v12 =	vmov s23;
	v11 =	vand.u32 $0xFFFFFFFD, v11;
	v8 =	vld [tilespmem:s30+$0x10];
	vm1 =	vgt.f32 v14, $0.0e+00  }
0x50: {  	v11 =	vbroadcast v11, $0x0;
	(xrf0) =	vmax.scan.msk.u32 $0xffff, v10;
	v10 =	vand.u32 $0xFFFFFFFC, v12;
	v12 =	vsel vm1, $0x1, v2  }
0x51: {  	v10 =	vbroadcast v10, $0x0;
	(xrf0) =	vadd.scan.msk.s32 $0xffff, v12  }
0x52: {  	s1 =	simm.s32 $0x3;
	vm4 =	vgt.f32 v17, $0.0e+00;
	vm2 =	vgt.f32 v9, $0.0e+00  }
0x53: {  	v15 =	vmov s1;
	v16 =	vsel vm4, $0x1, v2;
	v12 =	vsel vm2, $0x1, v2;
	v13 =	vld.idx.msk [tilespmem:v13+s9+$0x0], $0xffff  }
0x54: {  	s21 =	simm.s32 $0x6;
	vm5 =	vgt.f32 v8, $0.0e+00;
	(xrf0) =	vadd.scan.msk.s32 $0xffff, v16  }
0x55: {  	s4 =	simm.s32 $0x7;
	v21 =	vmov s21;
	v16 =	vsel vm5, $0x1, v2;
	(xrf0) =	vadd.scan.msk.s32 $0xffff, v12  }
0x56: {  	s25 =	simm.s32 $0x20;
	s26 =	simm.s32 $0x30;
	v19 =	vmov s4;
	v21 =	vand.u32 $0xFFFFFFFE, v21;
	v11 =	vld.idx.msk [tilespmem:v11+s9+$0x0], $0xffff;
	v12, _, _ =	vpop (xrf0);
	(xrf0) =	vadd.scan.msk.s32 $0xffff, v16  }
0x57: {  	v28 =	vor.u32 s26, v3;
	v25 =	vbroadcast v21, $0x0;
	v21 =	vor.u32 s25, v3;
	v10 =	vld.idx.msk [tilespmem:v10+s9+$0x0], $0xffff;
	v18, _, _ =	vpop (xrf0)  }
0x58: {  	s22 =	simm.s32 $0x60;
	v21 =	vcvt.s32.f32 v21;
	(v2sf) =	vpush v12, $0xF;
	v12 =	vld.idx.msk [tilespmem:v15+s9+$0x0], $0xffff;
	v13 =	vadd.s32 v18, v13  }
0x59: {  	s3 =	simm.s32 $0x5;
	vm3 =	vmmov vm1;
	vm7 =	vmmov vm4;
	v20 =	vadd.s32 $0xFFFFFFFF, v13;
	v13 =	vld [tilespmem:s22+$0x0]  }
0x5a: {  	s2 =	simm.s32 $0x4;
	vm2 =	vmmov vm2;
	vm1 =	vmmov vm5;
	v16 =	vmov s3;
	v18, _, _ =	vpop (xrf0)  }
0x5b: {  	v15 =	vmov s2;
	v16 =	vand.u32 $0xFFFFFFFD, v16;
	v18 =	vadd.s32 v18, v11;
	v11, _, _ =	vpop (xrf0)  }
0x5c: {  	v15 =	vand.u32 $0xFFFFFFFC, v15;
	v22 =	vadd.s32 v11, v10;
	vm5 =	vgt.s32 v20, $0x0;
	v10, _, _ =	vpop (xrf0);
	v11 =	vld [tilespmem:s22+$0xFFFFFFF0]  }
0x5d: {  	s24 =	simm.s32 $0x10;
	v16 =	vbroadcast v16, $0x0;
	v23 =	vnsel vm5, $0x0, v20;
	v24 =	vadd.s32 v10, v12;
	v10 =	vld [tilespmem:s22+$0xFFFFFFE0]  }
0x5e: {  	v27 =	vadd.s32 $0xFFFFFFFF, v18;
	v18 =	vor.u32 s24, v3;
	s24 =	simm.s32 $0x4020;
	v12 =	vld [tilespmem:s22+$0x10];
	vm5 =	vgt.f32 v13, $0.0e+00  }
0x5f: {  	v15 =	vbroadcast v15, $0x0;
	v26 =	vadd.s32 $0xFFFFFFFF, v22;
	[tilespmem:s24+$0x0] =	vst v20;
	v20 =	vsel vm5, $0x1, v2  }
0x60: {  	v22 =	vor.u32 s23, v3;
	vm8 =	vgt.s32 v27, $0x0;
	v29 =	vcvt.s32.f32 v18;
	(xrf0) =	vadd.scan.msk.s32 $0xffff, v20  }
0x61: {  	[tilespmem:s24+$0xFFFFFFF0] =	vst v27;
	v24 =	vadd.s32 $0xFFFFFFFF, v24;
	vm6 =	vgt.s32 v26, $0x0;
	vm4 =	vgt.f32 v11, $0.0e+00  }
0x62: {  	v25 =	vld.idx.msk [tilespmem:v25+s9+$0x0], $0xffff;
	v22 =	vcvt.s32.f32 v22;
	[tilespmem:v23+s10+$0x0] =	vst.idx.msk vm3, v21;
	vm10 =	vgt.f32 v10, $0.0e+00;
	v21 =	vsel vm4, $0x1, v2  }
0x63: {  	s31 =	simm.s32 $0xA;
	v30 =	vnsel vm8, $0x0, v27;
	vm11 =	vgt.f32 v12, $0.0e+00;
	v20 =	vsel vm10, $0x1, v2;
	(xrf0) =	vadd.scan.msk.s32 $0xffff, v21  }
0x64: {  	v27 =	vmov s31;
	vm9 =	vgt.s32 v24, $0x0;
	v18 =	vsel vm11, $0x1, v2;
	(xrf0) =	vadd.scan.msk.s32 $0xffff, v20  }
0x65: {  	v16 =	vld.idx.msk [tilespmem:v16+s9+$0x0], $0xffff;
	v21 =	vnsel vm6, $0x0, v26;
	[tilespmem:v23+s11+$0x0] =	vst.idx.msk vm3, v14;
	vm3 =	vmmov vm5;
	(xrf0) =	vadd.scan.msk.s32 $0xffff, v18  }
0x66: {  	s28 =	simm.s32 $0x8;
	[tilespmem:s24+$0xFFFFFFE0] =	vst v26;
	vm6 =	vmmov vm2;
	vm2 =	vmmov vm10;
	v20 =	vcvt.s32.f32 v28;
	v28 =	vld.idx.msk [tilespmem:v15+s9+$0x0], $0xffff;
	v26, _, _ =	vpop (xrf0)  }
0x67: {  	s29 =	simm.s32 $0x9;
	v14 =	vmov s28;
	vm5 =	vmmov vm1;
	v26 =	vadd.s32 v26, v25  }
0x68: {  	s30 =	simm.s32 $0xB;
	[tilespmem:s24+$0x10] =	vst v24;
	vm1 =	vmmov vm11;
	v23 =	vmov s29;
	v18 =	vnsel vm9, $0x0, v24;
	v24 =	vld.idx.msk [tilespmem:v19+s9+$0x0], $0xffff  }
0x69: {  	v15 =	vand.u32 $0xFFFFFFFC, v14;
	v14 =	vmov s30;
	v23 =	vand.u32 $0xFFFFFFFD, v23;
	v25, _, _ =	vpop (xrf0)  }
0x6a: {  	s0 =	simm.s32 $0xA0;
	[tilespmem:v30+s10+$0x0] =	vst.idx.msk vm7, v29;
	v15 =	vbroadcast v15, $0x0;
	v19 =	vbroadcast v23, $0x0;
	s22 =	spop (v2sf);
	v23 =	vadd.s32 $0xFFFFFFFF, v26;
	v26, _, _ =	vpop (xrf0)  }
0x6b: {  	s1 =	simm.s32 $0xC;
	[tilespmem:v30+s11+$0x0] =	vst.idx.msk vm7, v17;
	s21 =	sxor.u32 $0x80000000, s22;
	v25 =	vadd.s32 v25, v16;
	v16 =	vld [tilespmem:s0+$0x0];
	vm8 =	vgt.s32 v23, $0x0;
	v26 =	vadd.s32 v26, v28;
	v28, _, _ =	vpop (xrf0)  }
.LBB2_6:
0x6c: {  	v17 =	vand.u32 $0xFFFFFFFE, v27  }
0x6d: {  	p0 =	slt.u32 s1, $0xFC;
	v27 =	vnsel vm8, $0x0, v23;
	v24 =	vadd.s32 v28, v24;
	[tilespmem:v21+s10+$0x0] =	vst.idx.msk vm6, v22;
	s23 =	sadd.s32 $0x40, s23;
	v29 =	vmovc v11;
	v11 =	vld [tilespmem:s0+$0xFFFFFFF0];
	vm7 =	vmmov vm4  }
0x6e: {  	v26 =	vadd.s32 $0xFFFFFFFF, v26;
	v25 =	vadd.s32 $0xFFFFFFFF, v25;
	v17 =	vbroadcast v17, $0x0;
	s2 =	sadd.s32 $0x10, s23;
	s3 =	sadd.s32 $0x20, s23;
	s4 =	sadd.s32 $0x30, s23;
	[tilespmem:v21+s11+$0x0] =	vst.idx.msk vm6, v9;
	v9 =	vmovc v10;
	v10 =	vld [tilespmem:s0+$0xFFFFFFE0]  }
0x6f: {  	v30 =	vadd.s32 $0xFFFFFFFF, v24;
	v21 =	vld [tilespmem:s0+$0x10];
	v22 =	vor.u32 s2, v3;
	v28 =	vor.u32 s3, v3;
	[tilespmem:v18+s10+$0x0] =	vst.idx.msk vm5, v20  }
0x70: {  	s24 =	sadd.s32 $0x40, s24;
	v20 =	vor.u32 s23, v3;
	v24 =	vcvt.s32.f32 v28;
	v28 =	vor.u32 s4, v3;
	[tilespmem:v18+s11+$0x0] =	vst.idx.msk vm5, v8;
	v8 =	vmovc v12  }
0x71: {  	vm6 =	vgt.s32 v26, $0x0;
	vm8 =	vgt.s32 v25, $0x0;
	vm5 =	vgt.f32 v16, $0.0e+00;
	[tilespmem:s24+$0x0] =	vst v23  }
0x72: {  	vm9 =	vgt.s32 v30, $0x0;
	vm4 =	vgt.f32 v11, $0.0e+00;
	v23 =	vsel vm5, $0x1, v2;
	[tilespmem:v27+s10+$0x0] =	vst.idx.msk vm3, v24  }
0x73: {  	vm10 =	vgt.f32 v10, $0.0e+00;
	v18 =	vsel vm4, $0x1, v2;
	(xrf0) =	vadd.scan.msk.s32 $0xffff, v23;
	[tilespmem:v27+s11+$0x0] =	vst.idx.msk vm3, v13;
	v13 =	vmovc v16  }
0x74: {  	v27 =	vcvt.s32.f32 v22;
	v16 =	vsel vm10, $0x1, v2;
	v17 =	vld.idx.msk [tilespmem:v17+s9+$0x0], $0xffff;
	vm11 =	vgt.f32 v21, $0.0e+00;
	(xrf0) =	vadd.scan.msk.s32 $0xffff, v18;
	v12 =	vmovc v21  }
0x75: {  	v22 =	vcvt.s32.f32 v20;
	v20 =	vcvt.s32.f32 v28;
	v23 =	vld.idx.msk [tilespmem:v19+s9+$0x0], $0xffff;
	v18 =	vsel vm11, $0x1, v2;
	(xrf0) =	vadd.scan.msk.s32 $0xffff, v16  }
0x76: {  	v31 =	vnsel vm8, $0x0, v25;
	v21 =	vnsel vm6, $0x0, v26;
	v28 =	vld.idx.msk [tilespmem:v15+s9+$0x0], $0xffff;
	(xrf0) =	vadd.scan.msk.s32 $0xffff, v18;
	v18 =	vnsel vm9, $0x0, v30  }
0x77: {  	vm3 =	vmmov vm5;
	vm6 =	vmmov vm2;
	vm2 =	vmmov vm10;
	v24 =	vld.idx.msk [tilespmem:v14+s9+$0x0], $0xffff;
	[tilespmem:s24+$0xFFFFFFE0] =	vst v26  }
.Ltmp2:
0x78: {  	s2 =	sadd.s32 $0x1, s1;
	s3 =	sadd.s32 $0x3, s1;
	vm5 =	vmmov vm1;
	vm1 =	vmmov vm11;
	v14 =	vmov s1;
	[tilespmem:s24+$0xFFFFFFF0] =	vst v25;
	(pc) =	sbr.rel @p0 .LBB2_6-.Ltmp2, $4  }
0x79: {  	v16 =	vmov s2;
	v15 =	vand.u32 $0xFFFFFFFC, v14;
	v14 =	vmov s3;
	v19, _, _ =	vpop (xrf0);
	[tilespmem:s24+$0x10] =	vst v30  }
0x7a: {  	v16 =	vand.u32 $0xFFFFFFFD, v16;
	v15 =	vbroadcast v15, $0x0;
	v26 =	vadd.s32 v19, v17;
	v25, _, _ =	vpop (xrf0)  }
0x7b: {  	s0 =	sadd.s32 $0x40, s0;
	s2 =	sadd.s32 $0x2, s1;
	v19 =	vbroadcast v16, $0x0;
	v25 =	vadd.s32 v25, v23;
	v23 =	vadd.s32 $0xFFFFFFFF, v26;
	v17, _, _ =	vpop (xrf0);
	[tilespmem:v31+s10+$0x0] =	vst.idx.msk vm7, v27  }
0x7c: {  	s1 =	sadd.s32 $0x4, s1;
	v27 =	vmov s2;
	v16 =	vld [tilespmem:s0+$0x0];
	v26 =	vadd.s32 v17, v28;
	vm8 =	vgt.s32 v23, $0x0;
	v28, _, _ =	vpop (xrf0);
	[tilespmem:v31+s11+$0x0] =	vst.idx.msk vm7, v29  }
0x7d: {  	_ =	sdelay $0x2  }
0x7e: {  	v17 =	vand.u32 $0xFFFFFFFE, v27  }
0x7f: {  	v17 =	vbroadcast v17, $0x0  }
0x80: {  	v39 =	vnsel vm8, $0x0, v23;
	v29 =	vld [tilespmem:s0+$0xFFFFFFF0];
	v24 =	vadd.s32 v28, v24;
	[tilespmem:v21+s10+$0x0] =	vst.idx.msk vm6, v22  }
0x81: {  	vm4 =	vmmov vm4;
	v26 =	vadd.s32 $0xFFFFFFFF, v26;
	[tilespmem:v18+s10+$0x0] =	vst.idx.msk vm5, v20;
	vm7 =	vgt.f32 v16, $0.0e+00  }
0x82: {  	s1 =	sadd.s32 $0x40, s23;
	v40 =	vld [tilespmem:s0+$0xFFFFFFE0];
	v25 =	vadd.s32 $0xFFFFFFFF, v25;
	vm1 =	vmmov vm1;
	[tilespmem:v21+s11+$0x0] =	vst.idx.msk vm6, v9;
	v41 =	vsel vm7, $0x1, v2  }
0x83: {  	s25 =	sadd.s32 $0x40, s24;
	s2 =	sadd.s32 $0x10, s1;
	s3 =	sadd.s32 $0x20, s1;
	v45 =	vadd.s32 $0xFFFFFFFF, v24;
	[tilespmem:v18+s11+$0x0] =	vst.idx.msk vm5, v8;
	vm13 =	vgt.s32 v26, $0x0;
	(xrf0) =	vadd.scan.msk.s32 $0xffff, v41  }
0x84: {  	v44 =	vld [tilespmem:s0+$0x10];
	vm14 =	vgt.s32 v25, $0x0;
	[tilespmem:s25+$0x0] =	vst v23;
	v42 =	vor.u32 s2, v3;
	v43 =	vor.u32 s3, v3  }
0x85: {  	s23 =	sadd.s32 $0x30, s1;
	[tilespmem:s25+$0xFFFFFFE0] =	vst v26;
	v47 =	vnsel vm14, $0x0, v25;
	v28 =	vcvt.s32.f32 v43;
	vm5 =	vgt.f32 v29, $0.0e+00;
	v17 =	vld.idx.msk [tilespmem:v17+s9+$0x0], $0xffff  }
0x86: {  	[tilespmem:s25+$0xFFFFFFF0] =	vst v25;
	v8 =	vor.u32 s23, v3;
	vm9 =	vgt.s32 v45, $0x0;
	v48 =	vsel vm5, $0x1, v2  }
0x87: {  	v52 =	vnsel vm9, $0x0, v45;
	[tilespmem:v39+s10+$0x0] =	vst.idx.msk vm3, v28;
	vm15 =	vgt.f32 v40, $0.0e+00;
	(xrf0) =	vadd.scan.msk.s32 $0xffff, v48  }
0x88: {  	v21 =	vcvt.s32.f32 v42;
	[tilespmem:v39+s11+$0x0] =	vst.idx.msk vm3, v13;
	vm3 =	vmmov vm2;
	v49 =	vsel vm15, $0x1, v2  }
0x89: {  	v19 =	vld.idx.msk [tilespmem:v19+s9+$0x0], $0xffff;
	v50 =	vnsel vm13, $0x0, v26;
	[tilespmem:s25+$0x10] =	vst v45;
	vm2 =	vgt.f32 v44, $0.0e+00;
	v51, _, _ =	vpop (xrf0);
	(xrf0) =	vadd.scan.msk.s32 $0xffff, v49  }
0x8a: {  	v8 =	vcvt.s32.f32 v8;
	v53 =	vsel vm2, $0x1, v2;
	[tilespmem:v47+s10+$0x0] =	vst.idx.msk vm4, v21;
	v17 =	vadd.s32 v51, v17  }
0x8b: {  	v15 =	vld.idx.msk [tilespmem:v15+s9+$0x0], $0xffff;
	v46 =	vor.u32 s1, v3;
	[tilespmem:v47+s11+$0x0] =	vst.idx.msk vm4, v11;
	(xrf0) =	vadd.scan.msk.s32 $0xffff, v53;
	v17 =	vadd.s32 $0xFFFFFFFF, v17  }
0x8c: {  	v24 =	vcvt.s32.f32 v46;
	vm7 =	vmmov vm7;
	[tilespmem:v52+s10+$0x0] =	vst.idx.msk vm1, v8;
	vm12 =	vgt.s32 v17, $0x0  }
0x8d: {  	v14 =	vld.idx.msk [tilespmem:v14+s9+$0x0], $0xffff;
	s1 =	sadd.s32 $0x40, s1;
	[tilespmem:v52+s11+$0x0] =	vst.idx.msk vm1, v12;
	v55, _, _ =	vpop (xrf0);
	v54 =	vnsel vm12, $0x0, v17  }
0x8e: {  	s26 =	sadd.s32 $0x20, s1;
	s28 =	sadd.s32 $0x10, s1;
	[tilespmem:v50+s10+$0x0] =	vst.idx.msk vm3, v24;
	v56 =	vadd.s32 v55, v19  }
0x8f: {  	s0 =	sadd.s32 $0x40, s25;
	v57 =	vor.u32 s26, v3;
	v60 =	vor.u32 s28, v3;
	[tilespmem:v50+s11+$0x0] =	vst.idx.msk vm3, v10;
	v10 =	vadd.s32 $0xFFFFFFFF, v56;
	v8, _, _ =	vpop (xrf0)  }
0x90: {  	v18 =	vcvt.s32.f32 v57;
	[tilespmem:s0+$0x0] =	vst v17;
	vm13 =	vgt.s32 v10, $0x0;
	v8 =	vadd.s32 v8, v15  }
0x91: {  	vm3 =	vmmov vm15;
	[tilespmem:s0+$0xFFFFFFF0] =	vst v10;
	v59 =	vnsel vm13, $0x0, v10;
	v58, _, _ =	vpop (xrf0);
	v8 =	vadd.s32 $0xFFFFFFFF, v8  }
0x92: {  	vm3 =	vmmov vm3;
	v12 =	vadd.s32 v58, v14;
	[tilespmem:v54+s10+$0x0] =	vst.idx.msk vm7, v18;
	vm14 =	vgt.s32 v8, $0x0  }
0x93: {  	vm2 =	vmmov vm2;
	v12 =	vadd.s32 $0xFFFFFFFF, v12;
	[tilespmem:s0+$0xFFFFFFE0] =	vst v8;
	v61 =	vnsel vm14, $0x0, v8  }
0x94: {  	vm2 =	vmmov vm2;
	[tilespmem:v54+s11+$0x0] =	vst.idx.msk vm7, v16;
	vm15 =	vgt.s32 v12, $0x0;
	v8 =	vcvt.s32.f32 v60  }
0x95: {  	v62 =	vor.u32 s1, v3;
	[tilespmem:s0+$0x10] =	vst v12;
	v63 =	vnsel vm15, $0x0, v12  }
0x96: {  	s29 =	sadd.s32 $0x30, s1;
	v10 =	vcvt.s32.f32 v62;
	[tilespmem:v59+s10+$0x0] =	vst.idx.msk vm5, v8  }
0x97: {  	v8 =	vor.u32 s29, v3;
	[tilespmem:v59+s11+$0x0] =	vst.idx.msk vm5, v29  }
0x98: {  	v8 =	vcvt.s32.f32 v8;
	[tilespmem:v61+s10+$0x0] =	vst.idx.msk vm3, v10  }
0x99: {  	[tilespmem:v61+s11+$0x0] =	vst.idx.msk vm3, v40  }
0x9a: {  	[tilespmem:v63+s10+$0x0] =	vst.idx.msk vm2, v8  }
0x9b: {  	[tilespmem:v63+s11+$0x0] =	vst.idx.msk vm2, v44  }
0x9c: {  	v8 =	vld.idx.msk [tilespmem:v0+s12+$0x0], $0xffff  }
0x9d: {  	v9 =	vld.idx.msk [tilespmem:v1+s12+$0x0], $0xffff;
	_ =	sdelay $0x3  }
0x9e: {  	v8 =	vxor.u32 $0x80000000, v8  }
0x9f: {  	(xrf0) =	vmax.scan.msk.u32 $0xffff, v8;
	v8 =	vxor.u32 $0x80000000, v9  }
0xa0: {  	(xrf0) =	vmax.scan.msk.u32 $0xffff, v8;
	_ =	sdelay $0x4  }
0xa1: {  	v8, _, _ =	vpop (xrf0)  }
0xa2: {  	(v2sf) =	vpush v8, $0xF;
	v8, _, _ =	vpop (xrf0)  }
0xa3: {  	(v2sf) =	vpush v8, $0xF;
	_ =	sdelay $0xd  }
0xa4: {  	s30 =	spop (v2sf)  }
0xa5: {  	s31 =	spop (v2sf)  }
0xa6: {  	s25 =	sadd.s32 $0x7FFFFFFE, s22;
	s1 =	sxor.u32 $0x80000000, s31  }
0xa7: {  	p0 =	sgt.s32 s25, $0x0;
	s0 =	sxor.u32 $0x80000000, s30;
	p1 =	sgt.s32 s1, $0x0  }
0xa8: {  	s25 =	simm.s32 @!p0 $0x0;
	p0 =	sgt.s32 s0, $0x0;
	s1 =	simm.s32 @!p1 $0x0  }
0xa9: {  	s0 =	simm.s32 @!p0 $0x0;
	s1 =	smin.u32 s25, s1  }
0xaa: {  	s0 =	smin.u32 s25, s0;
	s1 =	sadd.s32 $0x1, s1  }
0xab: {  	s23 =	sshrl.u32 s0, $0x4;
	s24 =	sshrl.u32 s1, $0x4  }
0xac: {  	p0 =	sgt.u32 s23, s24  }
.Ltmp3:
0xad: {  	_ = 	snop;
	(pc) =	sbr.rel @p0 .LBB2_23-.Ltmp3, $2  }
0xae: {  	_ =	sdelay $0x2  }
0xaf: {  	vm1 =	vmmov vm5  }
0xb0: {  	s1 =	sxor.u32 $0xFFFFFFFF, s24  }
0xb1: {  	s1 =	sadd.s32 s23, s1  }
0xb2: {  	s0 =	sshll.u32 s23, $0x6;
	s1 =	sadd.s32 $0x1, s1  }
0xb3: {  	s0 =	sshra.s32 s0, $0x2;
	p6 =	seq.s32 s1, $0x0  }
.Ltmp4:
0xb4: {  	s28 =	sadd.s32 $0x1000, s0;
	(pc) =	sbr.rel @p6 .LBB2_9-.Ltmp4, $4  }
0xb5: {  	v31 =	vadd.s32 $0xFFFFFFFF, v3;
	v32 =	vadd.s32 $0x1, v3;
	s3 =	sadd.s32 $0x2000, s0;
	s26 =	sadd.s32 $0x3000, s0;
	s0 =	sshll.u32 s23, $0x4  }
0xb6: {  	v8 =	vadd.s32 s0, v31;
	v10 =	vadd.s32 s0, v32  }
0xb7: {  	p1 =	por $0x0, $0x0;
	p2 =	por $0x0, $0x0;
	p3 =	por $0x0, $0x0;
	vm1 =	vgt.s32 v8, $0x0;
	vm2 =	vlt.s32 v10, $0xFFF  }
0xb8: {  	p4 =	por $0x0, $0x0;
	p5 =	por $0x0, $0x0;
	s2 =	sadd.s32 $0x10, s3;
	v39 =	vld [tilespmem:s3+$0x0];
	v9 =	vnsel vm1, $0x0, v8;
	v8 =	vnsel vm2, $0xFFF, v10  }
0xb9: {  	_ =	sdelay $0x2  }
0xba: {  	v10 =	vld [tilespmem:s28+$0x0];
	s1 =	sadd.s32 $0x1, s1  }
0xbb: {  	v11 =	vld.idx.msk [tilespmem:v8+s10+$0x0], $0xffff;
	p6 =	seq.s32 s1, $0x0  }
.Ltmp5:
0xbc: {  	_ = 	snop;
	(pc) =	sbr.rel @p6 .LBB2_11-.Ltmp5, $4  }
0xbd: {  	v13 =	vld [tilespmem:s2+$0x0];
	s0 =	sadd.s32 $0x10, s0  }
0xbe: {  	v21 =	vld.idx.msk [tilespmem:v9+s10+$0x0], $0xffff;
	v12 =	vadd.s32 s0, v31;
	v14 =	vadd.s32 s0, v32  }
0xbf: {  	v15 =	vld.idx.msk [tilespmem:v8+s11+$0x0], $0xffff;
	vm1 =	vgt.s32 v12, $0x0;
	vm2 =	vlt.s32 v14, $0xFFF  }
0xc0: {  	s2 =	sadd.s32 $0x10, s2;
	v18 =	vld.idx.msk [tilespmem:v9+s11+$0x0], $0xffff;
	p1 =	por $0x1, $0x1;
	v20 =	vnsel vm1, $0x0, v12;
	v8 =	vnsel vm2, $0xFFF, v14;
	v14 =	vsub.f32 v11, v10  }
0xc1: {  	_ = 	snop  }
0xc2: {  	(erf) = vrcp.f32 v14;
	_ =	sdelay $0x2  }
0xc3: {  	s29 =	sadd.s32 $0x10, s28;
	v17 =	vld.idx.msk [tilespmem:v8+s10+$0x0], $0xffff;
	s1 =	sadd.s32 $0x1, s1;
	v9 =	vsub.f32 v10, v21  }
0xc4: {  	v11 =	vadd.f32 v14, v14;
	p6 =	seq.s32 s1, $0x0;
	v10 =	vld [tilespmem:s29+$0x0]  }
.Ltmp6:
0xc5: {  	v16 =	vadd.f32 v9, v9;
	(pc) =	sbr.rel @p6 .LBB2_13-.Ltmp6, $4  }
0xc6: {  	v33 =	vld [tilespmem:s2+$0x0];
	s0 =	sadd.s32 $0x10, s0;
	v24 =	vsub.f32 v15, v39;
	(erf) = vrcp.f32 v9;
	v12 =	vadd.f32 v11, v9  }
0xc7: {  	v21 =	vld.idx.msk [tilespmem:v20+s10+$0x0], $0xffff;
	v9 =	vadd.s32 s0, v31;
	v11 =	vadd.f32 v16, v14;
	v14 =	vadd.s32 s0, v32  }
0xc8: {  	v15 =	vld.idx.msk [tilespmem:v8+s11+$0x0], $0xffff;
	v29 =	vsub.f32 v39, v18;
	vm1 =	vgt.s32 v9, $0x0;
	vm2 =	vlt.s32 v14, $0xFFF  }
0xc9: {  	s2 =	sadd.s32 $0x10, s2;
	p2 =	por $0x1, $0x1;
	v18 =	vld.idx.msk [tilespmem:v20+s11+$0x0], $0xffff;
	v19 =	vnsel vm1, $0x0, v9;
	v8 =	vnsel vm2, $0xFFF, v14;
	v14 =	vsub.f32 v17, v10;
	v41 =	vpop (erf)  }
0xca: {  	_ =	sdelay $0x4  }
0xcb: {  	(erf) = vrcp.f32 v14;
	v9 =	vsub.f32 v10, v21;
	v10 =	vpop (erf)  }
0xcc: {  	v16 =	vmul.f32 v24, v41;
	v17 =	vmul.f32 v29, v10  }
0xcd: {  	v20 =	vadd.f32 v14, v14  }
0xce: {  	s29 =	sadd.s32 $0x10, s29;
	v23 =	vld.idx.msk [tilespmem:v8+s10+$0x0], $0xffff;
	s1 =	sadd.s32 $0x1, s1;
	v21 =	vadd.f32 v9, v9;
	v22 =	vmul.f32 v16, v17  }
0xcf: {  	p6 =	seq.s32 s1, $0x0;
	v24 =	vsub.f32 v15, v13;
	v28 =	vadd.f32 v20, v9;
	(erf) = vrcp.f32 v9;
	v10 =	vld [tilespmem:s29+$0x0]  }
.Ltmp7:
0xd0: {  	v9 =	vadd.f32 v12, v11;
	v27 =	vadd.f32 v21, v14;
	vm1 =	vgt.f32 v22, $0.0e+00;
	(pc) =	sbr.rel @p6 .LBB2_15-.Ltmp7, $4  }
0xd1: {  	v42 =	vld [tilespmem:s2+$0x0];
	s0 =	sadd.s32 $0x10, s0;
	v29 =	vsub.f32 v13, v18;
	v13 =	vnsel vm1, $0x3F800000, v17;
	v14 =	vnsel vm1, $0x3F800000, v16  }
0xd2: {  	v15 =	vld.idx.msk [tilespmem:v8+s11+$0x0], $0xffff;
	v16 =	vadd.s32 s0, v32;
	(erf) = vrcp.f32 v14;
	v14 =	vadd.s32 s0, v31  }
0xd3: {  	v21 =	vld.idx.msk [tilespmem:v19+s10+$0x0], $0xffff;
	vm3 =	vlt.s32 v16, $0xFFF;
	vm2 =	vgt.s32 v14, $0x0;
	(erf) = vrcp.f32 v13  }
0xd4: {  	s2 =	sadd.s32 $0x10, s2;
	p3 =	por $0x1, $0x1;
	v18 =	vld.idx.msk [tilespmem:v19+s11+$0x0], $0xffff;
	v41 =	vpop (erf);
	v8 =	vnsel vm3, $0xFFF, v16;
	v20 =	vnsel vm2, $0x0, v14;
	v14 =	vsub.f32 v23, v10  }
0xd5: {  	_ =	sdelay $0x1  }
0xd6: {  	(erf) = vrcp.f32 v14  }
0xd7: {  	v13 =	vmul.f32 v24, v41;
	vm2 =	vmmov vm1;
	v16 =	vpop (erf);
	v17 =	vsub.f32 v10, v21  }
0xd8: {  	s29 =	sadd.s32 $0x10, s29;
	s0 =	sadd.s32 $0x10, s0;
	v19 =	vadd.f32 v14, v14;
	v30 =	vsub.f32 v15, v33;
	v16 =	vmul.f32 v29, v16  }
0xd9: {  	s1 =	sadd.s32 $0x1, s1;
	v10 =	vld [tilespmem:s29+$0x0];
	v36 =	vsub.f32 v33, v18;
	v18 =	vadd.s32 s0, v31;
	v21 =	vadd.f32 v17, v17  }
0xda: {  	p6 =	seq.s32 s1, $0x0;
	(erf) = vrcp.f32 v17;
	v26 =	vadd.f32 v19, v17;
	v17 =	vld.idx.msk [tilespmem:v8+s10+$0x0], $0xffff;
	v22 =	vmul.f32 v13, v16  }
.Ltmp8:
0xdb: {  	v19 =	vadd.f32 v28, v27;
	vm3 =	vgt.s32 v18, $0x0;
	v23 =	vadd.f32 v21, v14;
	v14 =	vpop (erf);
	(pc) =	sbr.rel @p6 .LBB2_17-.Ltmp8, $4  }
0xdc: {  	v39 =	vnsel vm3, $0x0, v18;
	v18 =	vld.idx.msk [tilespmem:v20+s11+$0x0], $0xffff;
	vm4 =	vgt.f32 v22, $0.0e+00;
	v33 =	vmul.f32 v14, v11  }
0xdd: {  	v21 =	vld.idx.msk [tilespmem:v20+s10+$0x0], $0xffff;
	v14 =	vpop (erf);
	v22 =	vadd.s32 s0, v32;
	v15 =	vnsel vm4, $0x3F800000, v13;
	v16 =	vnsel vm4, $0x3F800000, v16  }
0xde: {  	v13 =	vld [tilespmem:s2+$0x0];
	v35 =	vmul.f32 v14, v12;
	vm5 =	vlt.s32 v22, $0xFFF;
	(erf) = vrcp.f32 v15  }
0xdf: {  	p4 =	por $0x1, $0x1;
	s2 =	sadd.s32 $0x10, s2;
	v15 =	vld.idx.msk [tilespmem:v8+s11+$0x0], $0xffff;
	v8 =	vnsel vm5, $0xFFF, v22;
	v14 =	vsub.f32 v17, v10;
	v37 =	vpop (erf);
	(erf) = vrcp.f32 v16  }
0xe0: {  	_ =	sdelay $0x2  }
0xe1: {  	v20 =	vmul.f32 v30, v37;
	vm5 =	vmmov vm2;
	v16 =	vpop (erf)  }
0xe2: {  	(erf) = vrcp.f32 v14;
	v17 =	vsub.f32 v10, v21;
	v21 =	vmul.f32 v36, v16  }
0xe3: {  	vm3 =	vmmov vm4;
	v22 =	vadd.f32 v14, v14;
	v16 =	vadd.f32 v33, v35  }
0xe4: {  	s29 =	sadd.s32 $0x10, s29;
	v34 =	vld.idx.msk [tilespmem:v8+s10+$0x0], $0xffff;
	v24 =	vadd.f32 v17, v17;
	(erf) = vrcp.f32 v17;
	v25 =	vmul.f32 v20, v21  }
0xe5: {  	s1 =	sadd.s32 $0x1, s1;
	v29 =	vsub.f32 v42, v18;
	v10 =	vld [tilespmem:s29+$0x0];
	v17 =	vadd.f32 v22, v17;
	(erf) = vrcp.f32 v16  }
0xe6: {  	p6 =	seq.s32 s1, $0x0;
	v22 =	vadd.f32 v26, v23;
	v16 =	vadd.f32 v24, v14;
	v14 =	vpop (erf);
	vm6 =	vgt.f32 v25, $0.0e+00  }
.Ltmp9:
0xe7: {  	s0 =	sadd.s32 $0x10, s0;
	v24 =	vsub.f32 v15, v42;
	v38 =	vmul.f32 v14, v27;
	v18 =	vnsel vm6, $0x3F800000, v21;
	v21 =	vld.idx.msk [tilespmem:v39+s10+$0x0], $0xffff;
	(pc) =	sbr.rel @p6 .LBB2_19-.Ltmp9, $4  }
0xe8: {  	v14 =	vpop (erf);
	v25 =	vadd.s32 s0, v32;
	v15 =	vnsel vm6, $0x3F800000, v20;
	v20 =	vadd.s32 s0, v31  }
0xe9: {  	v44 =	vld [tilespmem:s2+$0x0];
	v43 =	vmovc v23;
	v40 =	vmul.f32 v14, v28;
	vm8 =	vlt.s32 v25, $0xFFF;
	(erf) = vrcp.f32 v15  }
0xea: {  	s2 =	sadd.s32 $0x10, s2;
	v42 =	vmovc v26;
	v14 =	vsub.f32 v34, v10;
	v34 =	vmovc v9;
	vm7 =	vgt.s32 v20, $0x0;
	v15 =	vld.idx.msk [tilespmem:v8+s11+$0x0], $0xffff;
	v8 =	vnsel vm8, $0xFFF, v25  }
0xeb: {  	p5 =	por $0x1, $0x1;
	s30 =	smov.u32 s26;
	s31 =	smov.u32 s26;
	v41 =	vpop (erf);
	(erf) = vrcp.f32 v18;
	v20 =	vnsel vm7, $0x0, v20;
	v18 =	vld.idx.msk [tilespmem:v39+s11+$0x0], $0xffff;
	v25 =	vmov v19  }
.LBB2_20:
0xec: {  	v21 =	vsub.f32 v10, v21;
	v41 =	vmul.f32 v24, v41;
	v24 =	vadd.f32 v38, v40  }
0xed: {  	v39 =	vld [tilespmem:s2+$0x0];
	s1 =	sadd.s32 $0x1, s1;
	v10 =	vpop (erf);
	s30 =	sadd.s32 $0x10, s30;
	vm7 =	vmmov vm5;
	vm5 =	vmmov vm3;
	vm3 =	vmmov vm6  }
0xee: {  	p6 =	seq.s32 s1, $0x0;
	v38 =	vadd.f32 v14, v14;
	(erf) = vrcp.f32 v14;
	v40 =	vmul.f32 v29, v10;
	v10 =	vpop (erf)  }
0xef: {  	s29 =	sadd.s32 $0x10, s29;
	v29 =	vadd.f32 v21, v21;
	(erf) = vrcp.f32 v21;
	v45 =	vmul.f32 v10, v34;
	v34 =	vmovc v25;
	v25 =	vmovc v22  }
0xf0: {  	v10 =	vld [tilespmem:s29+$0x0];
	v46 =	vadd.f32 v38, v21;
	v38 =	vmul.f32 v41, v40;
	(erf) = vrcp.f32 v24  }
0xf1: {  	v22 =	vadd.f32 v17, v16;
	v47 =	vld.idx.msk [tilespmem:v8+s10+$0x0], $0xffff;
	v14 =	vadd.f32 v29, v14;
	v45 =	vnsel vm7, $0x0, v45  }
0xf2: {  	v24 =	vsub.f32 v15, v13;
	v29 =	vsub.f32 v13, v18;
	v21 =	vld.idx.msk [tilespmem:v20+s10+$0x0], $0xffff;
	vm6 =	vgt.f32 v38, $0.0e+00;
	v13 =	vpop (erf);
	[tilespmem:s31+$0x0] =	vst v45;
	s31 =	smov.u32 s30  }
.Ltmp10:
0xf3: {  	v18 =	vnsel vm6, $0x3F800000, v40;
	v40 =	vnsel vm6, $0x3F800000, v41;
	v38 =	vmul.f32 v13, v43;
	v13 =	vmovc v44;
	v44 =	vmovc v39;
	(pc) =	sbr.rel @!p6 .LBB2_20-.Ltmp10, $4  }
0xf4: {  	s0 =	sadd.s32 $0x10, s0;
	(erf) = vrcp.f32 v40;
	v15 =	vpop (erf)  }
0xf5: {  	v45 =	vadd.s32 s0, v32;
	v39 =	vadd.s32 s0, v31;
	v40 =	vmul.f32 v15, v42;
	v42 =	vmovc v17;
	v17 =	vmovc v46  }
0xf6: {  	vm8 =	vlt.s32 v45, $0xFFF;
	v43 =	vmovc v16;
	v16 =	vmovc v14;
	vm7 =	vgt.s32 v39, $0x0;
	v15 =	vld.idx.msk [tilespmem:v8+s11+$0x0], $0xffff;
	(erf) = vrcp.f32 v18  }
0xf7: {  	s2 =	sadd.s32 $0x10, s2;
	v8 =	vnsel vm8, $0xFFF, v45;
	v14 =	vsub.f32 v47, v10;
	v18 =	vld.idx.msk [tilespmem:v20+s11+$0x0], $0xffff;
	v20 =	vnsel vm7, $0x0, v39;
	v41 =	vpop (erf)  }
0xf8: {  	v39 =	vmov v13;
	v13 =	vmov v44  }
.LBB2_22:
0xf9: {  	_ =	sdelay $0x2  }
0xfa: {  	s0 =	sadd.s32 @p1 $0x10, s29;
	v31 =	vpop @p2 (erf)  }
0xfb: {  	v24 =	vmul.f32 @p2 v24, v41;
	v32 =	vld.idx.msk [tilespmem:v8+s10+$0x0], $0xffff;
	s28 =	smov.u32 @p1 s0;
	v29 =	vmul.f32 @p2 v29, v31  }
0xfc: {  	v49 =	vld [tilespmem:s28+$0x0]  }
0xfd: {  	v10 =	vsub.f32 @p1 v10, v21;
	v50 =	vld.idx.msk [tilespmem:v20+s10+$0x0], $0xffff;
	v21 =	vmul.f32 @p2 v24, v29  }
0xfe: {  	v38 =	vadd.f32 @p4 v38, v40;
	(erf) = vrcp.f32 @p1 v14  }
0xff: {  	(erf) = vrcp.f32 @p1 v10;
	vm8 =	vgt.f32 @p2 v21, $0.0e+00  }
0x100: {  	(erf) = vrcp.f32 @p4 v38;
	v21 =	vnsel @p2 vm8, $0x3F800000, v24  }
0x101: {  	v24 =	vnsel @p2 vm8, $0x3F800000, v29;
	(erf) = vrcp.f32 @p2 v21;
	v51 =	vsub.f32 v32, v49  }
0x102: {  	v52 =	vsub.f32 v49, v50;
	(erf) = vrcp.f32 @p2 v24  }
0x103: {  	(erf) = vrcp.f32 v51  }
0x104: {  	v29 =	vpop @p5 (erf);
	(erf) = vrcp.f32 v52  }
0x105: {  	v31 =	vpop @p3 (erf)  }
0x106: {  	v8 =	vld.idx.msk [tilespmem:v8+s11+$0x0], $0xffff;
	v32 =	vpop @p3 (erf)  }
0x107: {  	v53 =	vld.idx.msk [tilespmem:v20+s11+$0x0], $0xffff;
	v40 =	vmov @p2 v16;
	v15 =	vsub.f32 @p1 v15, v39;
	v18 =	vsub.f32 @p1 v39, v18;
	v38 =	vpop @p1 (erf)  }
0x108: {  	v39 =	vmov @p2 v17;
	v32 =	vmul.f32 @p3 v32, v42;
	v37 =	vpsel p1, v38, v37;
	v38 =	vpop @p1 (erf)  }
0x109: {  	v15 =	vpsel p1, v15, v30;
	v18 =	vpsel p1, v18, v36;
	v31 =	vmul.f32 @p3 v31, v43;
	v30 =	vpop @p4 (erf)  }
0x10a: {  	v32 =	vpsel p3, v32, v35;
	v15 =	vmul.f32 @p1 v15, v37;
	v18 =	vmul.f32 @p1 v18, v38;
	v35 =	vpop @p2 (erf)  }
0x10b: {  	v27 =	vpsel p2, v40, v27;
	v28 =	vpsel p2, v39, v28;
	v31 =	vpsel p3, v31, v33;
	v33 =	vpop @p2 (erf)  }
0x10c: {  	v8 =	vsub.f32 v8, v13;
	v54 =	vsub.f32 v13, v53;
	v36 =	vmul.f32 @p1 v15, v18;
	v55 =	vpop (erf)  }
0x10d: {  	v31 =	vadd.f32 @p3 v31, v32;
	v27 =	vmul.f32 @p2 v35, v27;
	v28 =	vmul.f32 @p2 v33, v28;
	v56 =	vpop (erf)  }
0x10e: {  	vm9 =	vgt.f32 @p1 v36, $0.0e+00;
	v8 =	vmul.f32 v8, v55;
	v13 =	vmul.f32 v54, v56  }
0x10f: {  	(erf) = vrcp.f32 @p3 v31;
	v15 =	vnsel @p1 vm9, $0x3F800000, v15  }
0x110: {  	v27 =	vpsel p2, v27, v0;
	v20 =	vpsel p2, v28, v0;
	v57 =	vmul.f32 v8, v13  }
0x111: {  	v18 =	vnsel @p1 vm9, $0x3F800000, v18;
	(erf) = vrcp.f32 @p1 v15;
	v15 =	vadd.f32 @p2 v27, v20  }
0x112: {  	(erf) = vrcp.f32 @p1 v18;
	vm7 =	vgt.f32 v57, $0.0e+00  }
0x113: {  	(erf) = vrcp.f32 @p2 v15;
	v15 =	vadd.f32 @p1 v14, v14;
	v8 =	vnsel vm7, $0x3F800000, v8  }
0x114: {  	v13 =	vnsel vm7, $0x3F800000, v13;
	(erf) = vrcp.f32 v8  }
0x115: {  	v8 =	vadd.f32 @p1 v10, v10;
	v10 =	vadd.f32 @p1 v15, v10;
	(erf) = vrcp.f32 v13;
	_ =	sdelay $0x1  }
0x116: {  	v10 =	vpsel p1, v10, v26  }
0x117: {  	v8 =	vadd.f32 @p1 v8, v14;
	v18 =	vmov @p1 v10  }
0x118: {  	vm5 =	vmmov @p5 vm5;
	vm3 =	vmmov @p4 vm3;
	v16 =	vadd.f32 @p2 v17, v16;
	v14 =	vpop @p3 (erf)  }
0x119: {  	vm3 =	vmmov @p4 vm3;
	v58 =	vadd.f32 v51, v51;
	v20 =	vpop @p1 (erf);
	v8 =	vpsel p1, v8, v23  }
0x11a: {  	v59 =	vadd.f32 v52, v52;
	v12 =	vpsel p1, v18, v12;
	v26 =	vmov @p1 v8;
	v18 =	vpop @p1 (erf)  }
0x11b: {  	v16 =	vpsel p2, v16, v19;
	v11 =	vpsel p1, v26, v11;
	v12 =	vmul.f32 @p1 v18, v12;
	v18 =	vpop @p2 (erf)  }
0x11c: {  	v21 =	vadd.f32 v59, v51;
	v15 =	vadd.f32 v58, v52;
	v11 =	vmul.f32 @p1 v20, v11;
	v60 =	vpop (erf)  }
0x11d: {  	vm3 =	vmmov @p4 vm3;
	v17 =	vpsel p3, v22, v9;
	v12 =	vpsel p1, v12, v0;
	v61 =	vpop (erf)  }
0x11e: {  	v11 =	vpsel p1, v11, v0;
	v20 =	vmul.f32 v60, v21;
	v23 =	vmul.f32 v61, v15  }
0x11f: {  	vm4 =	vmmov @p2 vm8;
	vm1 =	vmmov @p1 vm9;
	v11 =	vadd.f32 @p1 v11, v12  }
0x120: {  	vm4 =	vmmov @p2 vm4;
	v24 =	vmovc @p4 v25;
	vm1 =	vmmov @p1 vm1;
	v20 =	vadd.f32 v20, v23  }
0x121: {  	v13 =	vmul.f32 @p5 v29, v34;
	v12 =	vpsel p4, v24, v0;
	(erf) = vrcp.f32 @p1 v11  }
0x122: {  	vm1 =	vmmov @p1 vm1;
	v12 =	vmul.f32 @p4 v30, v12;
	(erf) = vrcp.f32 v20  }
0x123: {  	vm1 =	vmmov @p1 vm1;
	v13 =	vnsel @p5 vm5, $0x0, v13;
	vm5 =	vmmov @p3 vm6  }
0x124: {  	s1 =	smov.u32 s26;
	s0 =	sadd.s32 @p5 $0x10, s30;
	vm1 =	vmmov @p1 vm1;
	vm2 =	vmmov @p3 vm5;
	v8 =	vadd.f32 @p1 v10, v8  }
0x125: {  	s1 =	smov.u32 @p5 s0;
	vm1 =	vmmov @p1 vm1;
	v62 =	vadd.f32 v15, v21;
	vm2 =	vmmov @p3 vm2  }
0x126: {  	s2 =	smov.u32 s26;
	s0 =	sadd.s32 @p4 $0x10, s1;
	vm2 =	vmmov @p3 vm2;
	v8 =	vpsel p1, v8, v9;
	v10 =	vnsel @p4 vm3, $0x0, v12;
	v11 =	vmovc @p3 v17;
	v12 =	vmovc @p2 v16  }
0x127: {  	s2 =	smov.u32 @p4 s0;
	vm2 =	vmmov @p3 vm2;
	v11 =	vpsel p3, v11, v0;
	v12 =	vpsel p2, v12, v0  }
0x128: {  	s3 =	smov.u32 s26;
	s0 =	sadd.s32 @p3 $0x10, s2;
	v8 =	vpsel p1, v8, v0;
	vm3 =	vmmov @p2 vm4;
	v11 =	vmul.f32 @p3 v14, v11;
	v9 =	vmovc @p2 v12  }
0x129: {  	s4 =	smov.u32 s26;
	s3 =	smov.u32 @p3 s0;
	v8 =	vpsel p1, v8, v0;
	vm3 =	vmmov @p2 vm3;
	v9 =	vpsel p2, v9, v0  }
0x12a: {  	s0 =	smov.u32 @p4 s1;
	s1 =	smov.u32 @p3 s2;
	s2 =	sadd.s32 @p2 $0x10, s3;
	[tilespmem:s31+$0x0] =	vst @p5 v13;
	v11 =	vnsel @p3 vm2, $0x0, v11;
	vm2 =	vmmov @p2 vm3;
	v9 =	vmul.f32 @p2 v18, v9;
	v13 =	vpop @p1 (erf)  }
0x12b: {  	s4 =	smov.u32 @p2 s2;
	[tilespmem:s0+$0x0] =	vst @p4 v10;
	s0 =	smov.u32 @p3 s1;
	s1 =	smov.u32 @p2 s3;
	vm3 =	vmmov vm7;
	vm2 =	vmmov @p2 vm2;
	v8 =	vmul.f32 @p1 v13, v8;
	v63 =	vpop (erf)  }
0x12c: {  	[tilespmem:s0+$0x0] =	vst @p3 v11;
	s0 =	smov.u32 @p2 s1;
	s1 =	smov.u32 @p1 s4;
	v9 =	vnsel @p2 vm2, $0x0, v9;
	vm2 =	vmmov vm3;
	v10 =	vmul.f32 v63, v62  }
0x12d: {  	[tilespmem:s0+$0x0] =	vst @p2 v9;
	s0 =	smov.u32 @p1 s1;
	s1 =	sadd.s32 @p1 $0x10, s4;
	v8 =	vnsel @p1 vm1, $0x0, v8;
	vm1 =	vmmov vm2  }
0x12e: {  	s26 =	smov.u32 @p1 s1;
	[tilespmem:s0+$0x0] =	vst @p1 v8;
	v8 =	vnsel vm1, $0x0, v10  }
0x12f: {  	[tilespmem:s26+$0x0] =	vst v8  }
.LBB2_23:
0x130: {  	_ =	sdelay $0x2  }
0x131: {  	v8 =	vld.msk [tilespmem:s10+$0x0], $0xffff  }
0x132: {  	v9 =	vld.idx.msk [tilespmem:v4+s10+$0x0], $0xffff  }
0x133: {  	v10 =	vld.idx.msk [tilespmem:v6+s10+$0x0], $0xffff;
	_ =	sdelay $0x3  }
0x134: {  	v8 =	vsub.f32 v9, v8  }
0x135: {  	v9 =	vsub.f32 v10, v9  }
0x136: {  	(erf) = vrcp.f32 v8  }
0x137: {  	(erf) = vrcp.f32 v9  }
0x138: {  	v11 =	vld.idx.msk [tilespmem:v4+s11+$0x0], $0xffff  }
0x139: {  	v10 =	vld.msk [tilespmem:s11+$0x0], $0xffff  }
0x13a: {  	v12 =	vld.idx.msk [tilespmem:v6+s11+$0x0], $0xffff  }
0x13b: {  	v13 =	vadd.f32 v9, v8;
	_ =	sdelay $0x1  }
0x13c: {  	(erf) = vrcp.f32 v13  }
0x13d: {  	v50 =	vadd.f32 v8, v8;
	v10 =	vsub.f32 v11, v10  }
0x13e: {  	v11 =	vsub.f32 v12, v11;
	v49 =	vpop (erf)  }
0x13f: {  	v9 =	vadd.f32 v9, v50;
	v14 =	vpop (erf);
	v10 =	vmul.f32 v10, v49  }
0x140: {  	v11 =	vmul.f32 v11, v14  }
0x141: {  	v9 =	vmul.f32 v10, v9  }
0x142: {  	v8 =	vmul.f32 v11, v8;
	_ =	sdelay $0x1  }
0x143: {  	v8 =	vsub.f32 v9, v8  }
0x144: {  	v9 =	vpop (erf)  }
0x145: {  	s0 =	sadd.s32 $0x7FFFFFFD, s22;
	v9 =	vmul.f32 v8, v9  }
0x146: {  	p1 =	sgt.s32 s0, $0x0  }
0x147: {  	s0 =	simm.s32 @!p1 $0x0;
	v8 =	vmul.f32 v9, v10  }
0x148: {  	v52 =	vmov s0  }
0x149: {  	vm1 =	vle.f32 v8, $0.0e+00;
	v8 =	vmul.f32 v11, v10;
	v11 =	vand.u32 $0x7FFFFFFF, v10  }
0x14a: {  	v51 =	vand.u32 $0x7FFFFFFF, v9;
	vm1 =	vmneg vm1;
	v11 =	vmul.f32 $3.000000000e+00, v11  }
0x14b: {  	s1 =	sadd.s32 $0x1, s25;
	v13 =	vbroadcast v52, $0x0;
	v12 =	vnsel vm1, $0x0, v51  }
0x14c: {  	p1 =	slt.s32 s1, $0xFFF;
	s0 =	sadd.s32 $0x1, s0;
	vm2 =	vlt.f32 v8, $0.0e+00;
	vm3 =	vgt.f32 v12, v11;
	v11 =	vmul.f32 $3.000000000e+00, v10  }
0x14d: {  	s1 =	simm.s32 @!p1 $0xFFF;
	p1 =	slt.s32 s0, $0xFFF;
	v8 =	vmov s25;
	vm2 =	vmand vm2, vm3  }
0x14e: {  	s0 =	simm.s32 @!p1 $0xFFF;
	v9 =	vsel vm2, v11, v9;
	v11 =	vmov s1  }
0x14f: {  	v53 =	vmov s0;
	v9 =	vnsel vm1, $0x0, v9  }
0x150: {  	[tilespmem:v2+s13+$0x0] =	vst.idx.msk $0x1, v9  }
0x151: {  	v9 =	vld.idx.msk [tilespmem:v13+s10+$0x0], $0xffff  }
0x152: {  	v54 =	vld.idx.msk [tilespmem:v8+s10+$0x0], $0xffff  }
0x153: {  	v15 =	vld.idx.msk [tilespmem:v11+s10+$0x0], $0xffff  }
0x154: {  	v16 =	vld.idx.msk [tilespmem:v53+s10+$0x0], $0xffff;
	_ =	sdelay $0x3  }
0x155: {  	v14 =	vsub.f32 v15, v54  }
0x156: {  	v9 =	vsub.f32 v16, v9  }
0x157: {  	(erf) = vrcp.f32 v14  }
0x158: {  	v13 =	vld.idx.msk [tilespmem:v13+s11+$0x0], $0xffff;
	(erf) = vrcp.f32 v9  }
0x159: {  	v55 =	vld.idx.msk [tilespmem:v8+s11+$0x0], $0xffff  }
0x15a: {  	v12 =	vld.idx.msk [tilespmem:v53+s11+$0x0], $0xffff  }
0x15b: {  	v11 =	vld.idx.msk [tilespmem:v11+s11+$0x0], $0xffff  }
0x15c: {  	v16 =	vadd.f32 v14, v9;
	_ =	sdelay $0x1  }
0x15d: {  	(erf) = vrcp.f32 v16  }
0x15e: {  	v12 =	vsub.f32 v12, v13  }
0x15f: {  	v11 =	vsub.f32 v11, v55;
	v57 =	vadd.f32 v14, v14;
	v56 =	vpop (erf)  }
0x160: {  	v58 =	vpop (erf)  }
0x161: {  	v9 =	vadd.f32 v57, v9;
	v11 =	vmul.f32 v11, v56;
	v12 =	vmul.f32 v12, v58;
	_ =	sdelay $0x1  }
0x162: {  	v9 =	vmul.f32 v11, v9;
	v59 =	vmul.f32 v12, v14;
	_ =	sdelay $0x1  }
0x163: {  	v9 =	vsub.f32 v9, v59  }
0x164: {  	s0 =	sadd.s32 $0x7FFFFFFF, s22;
	v60 =	vpop (erf)  }
0x165: {  	p1 =	sgt.s32 s0, $0x0;
	v9 =	vmul.f32 v9, v60  }
0x166: {  	s0 =	simm.s32 @!p1 $0x0  }
0x167: {  	p1 =	seq.s32 s22, $0x80000002;
	v63 =	vmov s0;
	v13 =	vmul.f32 v9, v11  }
0x168: {  	vm2 =	vcmask @p1 $0x300;
	v15 =	vbroadcast v63, $0x0;
	v16 =	vimm.s32 @p1 $0x1  }
0x169: {  	v61 =	vand.u32 $0x7FFFFFFF, v11;
	v12 =	vmul.f32 v11, v12;
	vm1 =	vle.f32 v13, $0.0e+00  }
0x16a: {  	v62 =	vand.u32 $0x7FFFFFFF, v9;
	v13 =	vmul.f32 $3.000000000e+00, v61;
	vm1 =	vmneg vm1  }
0x16b: {  	v16 =	vsel @p1 vm2, $0x0, v16;
	v14 =	vnsel vm1, $0x0, v62  }
0x16c: {  	vm2 =	vlt.f32 v12, $0.0e+00;
	v11 =	vmul.f32 $3.000000000e+00, v11;
	vm3 =	vgt.f32 v14, v13  }
.Ltmp11:
0x16d: {  	vm2 =	vmand vm2, vm3;
	(pc) =	sbr.rel @p0 .LBB2_35-.Ltmp11, $4  }
0x16e: {  	v9 =	vsel vm2, v11, v9  }
0x16f: {  	v9 =	vnsel vm1, $0x0, v9  }
0x170: {  	s0 =	simm.s32 @p1 $0x3000;
	[tilespmem:v15+s13+$0x0] =	vst.idx.msk $0x1, v9  }
0x171: {  	[tilespmem:v16+s0+$0x0] =	vst.idx.msk @p1 $0x3, v10  }
0x172: {  	s0 =	sxor.u32 $0xFFFFFFFF, s24;
	s2 =	sshll.u32 s23, $0x6  }
0x173: {  	s1 =	sadd.s32 s23, s0;
	s2 =	sshra.s32 s2, $0x2  }
0x174: {  	v9 =	vmov s2;
	s2 =	sadd.s32 $0x1, s1  }
0x175: {  	p3 =	seq.s32 s2, $0x0  }
.Ltmp12:
0x176: {  	_ = 	snop;
	(pc) =	sbr.rel @p3 .LBB2_25-.Ltmp12, $4  }
0x177: {  	s30 =	simm.s32 $0x1000;
	s29 =	simm.s32 $0x2000;
	v26 =	vadd.s32 $0x1, v3;
	s0 =	sshll.u32 s23, $0x4  }
0x178: {  	s28 =	simm.s32 $0x3000;
	s26 =	simm.s32 $0xD200;
	s25 =	simm.s32 $0xE200;
	v10 =	vadd.s32 s0, v26  }
0x179: {  	s24 =	simm.s32 $0xF200;
	s22 =	simm.s32 $0x11200;
	p0 =	por $0x0, $0x0;
	vm1 =	vlt.s32 v10, $0xFFF  }
0x17a: {  	p1 =	por $0x0, $0x0;
	p2 =	por $0x0, $0x0;
	s23 =	simm.s32 $0x10200;
	v15 =	vnsel vm1, $0xFFF, v10  }
0x17b: {  	_ =	sdelay $0x3  }
0x17c: {  	v11 =	vld.idx.msk [tilespmem:v9+s30+$0x0 ss:$0x1], $0xffff;
	s1 =	sadd.s32 $0x10, s0;
	s0 =	sadd.s32 $0x1, s2  }
0x17d: {  	v10 =	vld.idx.msk [tilespmem:v15+s10+$0x0], $0xffff;
	p3 =	seq.s32 s0, $0x0  }
.Ltmp13:
0x17e: {  	_ = 	snop;
	(pc) =	sbr.rel @p3 .LBB2_27-.Ltmp13, $4  }
0x17f: {  	_ = 	snop  }
0x180: {  	v23 =	vld.idx.msk [tilespmem:v9+s29+$0x0 ss:$0x1], $0xffff;
	v12 =	vadd.s32 s1, v26  }
0x181: {  	v13 =	vld.idx.msk [tilespmem:v9+s28+$0x0 ss:$0x1], $0xffff;
	vm1 =	vlt.s32 v12, $0xFFF  }
0x182: {  	v19 =	vld.idx.msk [tilespmem:v15+s11+$0x0], $0xffff;
	s30 =	simm.s32 $0x1010;
	p0 =	por $0x1, $0x1;
	v24 =	vnsel vm1, $0xFFF, v12;
	v11 =	vsub.f32 v10, v11  }
0x183: {  	_ =	sdelay $0x3  }
0x184: {  	v18 =	vld.idx.msk [tilespmem:v9+s30+$0x0 ss:$0x1], $0xffff  }
0x185: {  	v12 =	vld.idx.msk [tilespmem:v24+s10+$0x0], $0xffff;
	s0 =	sadd.s32 $0x1, s0  }
0x186: {  	s2 =	sadd.s32 $0x10, s1;
	p3 =	seq.s32 s0, $0x0  }
.Ltmp14:
0x187: {  	v20 =	vadd.s32 s2, v26;
	(pc) =	sbr.rel @p3 .LBB2_29-.Ltmp14, $4  }
0x188: {  	v14 =	vld.idx.msk [tilespmem:v15+s13+$0x0], $0xffff;
	s31 =	simm.s32 $0x2010;
	vm1 =	vlt.s32 v20, $0xFFF  }
0x189: {  	s1 =	simm.s32 $0x3010;
	v32 =	vld.idx.msk [tilespmem:v9+s31+$0x0 ss:$0x1], $0xffff;
	v16 =	vmul.f32 v11, v13;
	v15 =	vnsel vm1, $0xFFF, v20;
	v17 =	vsub.f32 v19, v23  }
0x18a: {  	v13 =	vld.idx.msk [tilespmem:v9+s1+$0x0 ss:$0x1], $0xffff;
	v22 =	vsub.f32 v12, v18  }
0x18b: {  	s30 =	simm.s32 $0x1020;
	p1 =	por $0x1, $0x1;
	(erf) = vrcp.f32 v11;
	v19 =	vld.idx.msk [tilespmem:v24+s11+$0x0], $0xffff;
	v21 =	vadd.f32 v16, v16;
	v20 =	vmul.f32 $3.000000000e+00, v17  }
0x18c: {  	_ =	sdelay $0x6  }
0x18d: {  	v28 =	vld.idx.msk [tilespmem:v9+s30+$0x0 ss:$0x1], $0xffff;
	v18 =	vmul.f32 v14, v11  }
0x18e: {  	v30 =	vld.idx.msk [tilespmem:v15+s10+$0x0], $0xffff;
	v29 =	vadd.f32 v17, v17;
	s4 =	sadd.s32 $0x1, s0;
	v25 =	vpop (erf);
	(erf) = vrcp.f32 v22  }
0x18f: {  	[tilespmem:v9+s26+$0x0 ss:$0x1] =	vst.idx.msk $0xffff, v10;
	v23 =	vsub.f32 v20, v21;
	p3 =	seq.s32 s4, $0x0;
	v27 =	vadd.f32 v18, v16  }
.Ltmp15:
0x190: {  	s3 =	sadd.s32 $0x10, s2;
	[tilespmem:v9+s25+$0x0 ss:$0x1] =	vst.idx.msk $0xffff, v25;
	v25 =	vld.idx.msk [tilespmem:v24+s13+$0x0], $0xffff;
	(pc) =	sbr.rel @p3 .LBB2_31-.Ltmp15, $4  }
0x191: {  	s31 =	simm.s32 $0x2020;
	v31 =	vadd.s32 s3, v26;
	v18 =	vsub.f32 v23, v18;
	v29 =	vsub.f32 v27, v29  }
0x192: {  	s1 =	simm.s32 $0x3020;
	s30 =	simm.s32 $0x1030;
	v23 =	vld.idx.msk [tilespmem:v9+s31+$0x0 ss:$0x1], $0xffff;
	v27 =	vsub.f32 v19, v32;
	v24 =	vmul.f32 v22, v13;
	[tilespmem:v9+s24+$0x0 ss:$0x1] =	vst.idx.msk $0xffff, v16  }
0x193: {  	p2 =	por $0x1, $0x1;
	s0 =	simm.s32 $0xD200;
	s2 =	simm.s32 $0xE200;
	vm1 =	vlt.s32 v31, $0xFFF;
	v19 =	vld.idx.msk [tilespmem:v15+s11+$0x0], $0xffff;
	v32 =	vsub.f32 v30, v28;
	[tilespmem:v9+s23+$0x0 ss:$0x1] =	vst.idx.msk $0xffff, v18  }
0x194: {  	s19 =	simm.s32 $0xF200;
	s5 =	simm.s32 $0x10200;
	s6 =	simm.s32 $0x11200;
	v28 =	vmul.f32 $3.000000000e+00, v27;
	v13 =	vld.idx.msk [tilespmem:v9+s1+$0x0 ss:$0x1], $0xffff;
	v18 =	vnsel vm1, $0xFFF, v31;
	[tilespmem:v9+s22+$0x0 ss:$0x1] =	vst.idx.msk $0xffff, v29;
	v29 =	vadd.f32 v24, v24  }
.LBB2_32:
0x195: {  	v31 =	vld.idx.msk [tilespmem:v9+s30+$0x0 ss:$0x1], $0xffff;
	s3 =	sadd.s32 $0x10, s3;
	v33 =	vmul.f32 v25, v22;
	v34 =	vmov v18  }
0x196: {  	s0 =	sadd.s32 $0x10, s0;
	s4 =	sadd.s32 $0x1, s4;
	v35 =	vadd.s32 s3, v26;
	v36 =	vld.idx.msk [tilespmem:v18+s10+$0x0], $0xffff;
	(erf) = vrcp.f32 v32;
	v28 =	vsub.f32 v28, v29;
	v22 =	vmovc v32  }
0x197: {  	v27 =	vadd.f32 v27, v27;
	s2 =	sadd.s32 $0x10, s2;
	p3 =	seq.s32 s4, $0x0;
	v25 =	vld.idx.msk [tilespmem:v15+s13+$0x0], $0xffff;
	[tilespmem:v9+s0+$0x0 ss:$0x1] =	vst.idx.msk $0xffff, v12;
	v29 =	vadd.f32 v33, v24;
	v12 =	vpop (erf)  }
.Ltmp16:
0x198: {  	s19 =	sadd.s32 $0x10, s19;
	vm1 =	vlt.s32 v35, $0xFFF;
	v15 =	vmovc v18;
	[tilespmem:v9+s2+$0x0 ss:$0x1] =	vst.idx.msk $0xffff, v12;
	v28 =	vsub.f32 v28, v33;
	v12 =	vmov v30;
	(pc) =	sbr.rel @!p3 .LBB2_32-.Ltmp16, $4  }
0x199: {  	s31 =	sadd.s32 $0x10, s31;
	s5 =	sadd.s32 $0x10, s5;
	v18 =	vnsel vm1, $0xFFF, v35;
	[tilespmem:v9+s19+$0x0 ss:$0x1] =	vst.idx.msk $0xffff, v24;
	v29 =	vsub.f32 v29, v27  }
0x19a: {  	s1 =	sadd.s32 $0x10, s1;
	s6 =	sadd.s32 $0x10, s6;
	v27 =	vsub.f32 v19, v23;
	v24 =	vmul.f32 v22, v13;
	v23 =	vld.idx.msk [tilespmem:v9+s31+$0x0 ss:$0x1], $0xffff;
	[tilespmem:v9+s5+$0x0 ss:$0x1] =	vst.idx.msk $0xffff, v28  }
0x19b: {  	v13 =	vld.idx.msk [tilespmem:v9+s1+$0x0 ss:$0x1], $0xffff;
	[tilespmem:v9+s6+$0x0 ss:$0x1] =	vst.idx.msk $0xffff, v29  }
0x19c: {  	s30 =	sadd.s32 $0x10, s30;
	v32 =	vsub.f32 v36, v31;
	v28 =	vmul.f32 $3.000000000e+00, v27;
	v29 =	vadd.f32 v24, v24;
	v30 =	vmovc v36;
	v19 =	vld.idx.msk [tilespmem:v34+s11+$0x0], $0xffff  }
0x19d: {  	_ = 	snop  }
0x19e: {  	v26 =	vmovc v22;
	v31 =	vmov v12;
	v12 =	vmov v30;
	v22 =	vmov v32  }
.LBB2_34:
0x19f: {  	_ =	sdelay $0x3  }
0x1a0: {  	v30 =	vld.idx.msk [tilespmem:v9+s30+$0x0 ss:$0x1], $0xffff  }
0x1a1: {  	s0 =	sadd.s32 @p2 $0x10, s0;
	v32 =	vld.idx.msk [tilespmem:v18+s10+$0x0], $0xffff  }
0x1a2: {  	s3 =	simm.s32 $0xD200;
	s2 =	sadd.s32 @p2 $0x10, s2;
	s4 =	simm.s32 $0xE200;
	v25 =	vmul.f32 @p1 v25, v26  }
0x1a3: {  	(erf) = vrcp.f32 @p0 v22;
	v26 =	vsub.f32 @p1 v28, v29;
	v27 =	vadd.f32 @p1 v27, v27;
	s3 =	smov.u32 @p2 s0;
	s4 =	smov.u32 @p2 s2  }
0x1a4: {  	v15 =	vld.idx.msk @p0 [tilespmem:v15+s13+$0x0], $0xffff;
	v11 =	vpsel p0, v22, v11;
	v10 =	vpsel p0, v12, v10;
	s0 =	sadd.s32 @p2 $0x10, s19;
	s2 =	sadd.s32 @p0 $0x10, s31;
	s19 =	simm.s32 $0xF200;
	v13 =	vmul.f32 @p0 v22, v13  }
0x1a5: {  	v28 =	vpop @p1 (erf);
	v55 =	vld.idx.msk [tilespmem:v18+s11+$0x0], $0xffff;
	[tilespmem:v9+s3+$0x0 ss:$0x1] =	vst.idx.msk @p1 $0xffff, v31;
	v29 =	vadd.f32 @p1 v25, v24;
	s19 =	smov.u32 @p2 s0;
	s29 =	smov.u32 @p0 s2;
	s0 =	sadd.s32 @p0 $0x10, s1;
	v25 =	vsub.f32 @p1 v26, v25  }
0x1a6: {  	s1 =	sadd.s32 @p2 $0x10, s5;
	v19 =	vsub.f32 @p0 v19, v23;
	s2 =	simm.s32 $0x10200;
	[tilespmem:v9+s4+$0x0 ss:$0x1] =	vst.idx.msk @p1 $0xffff, v28;
	v52 =	vld.idx.msk [tilespmem:v9+s29+$0x0 ss:$0x1], $0xffff;
	s28 =	smov.u32 @p0 s0;
	v54 =	vsub.f32 v32, v30  }
0x1a7: {  	s2 =	smov.u32 @p2 s1;
	s0 =	sadd.s32 @p2 $0x10, s6;
	s1 =	simm.s32 $0x11200;
	v12 =	vpsel p0, v13, v16;
	[tilespmem:v9+s19+$0x0 ss:$0x1] =	vst.idx.msk @p1 $0xffff, v24;
	v23 =	vsub.f32 @p1 v29, v27;
	v53 =	vld.idx.msk [tilespmem:v9+s28+$0x0 ss:$0x1], $0xffff  }
0x1a8: {  	s1 =	smov.u32 @p2 s0;
	v28 =	vmul.f32 @p0 $3.000000000e+00, v19;
	v29 =	vadd.f32 @p0 v13, v13;
	[tilespmem:v9+s2+$0x0 ss:$0x1] =	vst.idx.msk @p1 $0xffff, v25;
	(erf) = vrcp.f32 v54  }
0x1a9: {  	s0 =	sadd.s32 @p1 $0x10, s3;
	s3 =	simm.s32 $0xD200;
	v13 =	vpsel p0, v19, v17;
	v14 =	vpsel p0, v15, v14;
	[tilespmem:v9+s1+$0x0 ss:$0x1] =	vst.idx.msk @p1 $0xffff, v23  }
0x1aa: {  	v56 =	vld.idx.msk [tilespmem:v18+s13+$0x0], $0xffff;
	s3 =	smov.u32 @p1 s0;
	v15 =	vpsel p0, v28, v20;
	v20 =	vpsel p0, v29, v21;
	v11 =	vmul.f32 @p0 v14, v11  }
0x1ab: {  	s0 =	sadd.s32 @p1 $0x10, s4;
	s4 =	simm.s32 $0xE200;
	v13 =	vadd.f32 @p0 v13, v13;
	[tilespmem:v9+s3+$0x0 ss:$0x1] =	vst.idx.msk @p0 $0xffff, v10;
	v15 =	vsub.f32 @p0 v15, v20  }
0x1ac: {  	s5 =	simm.s32 $0xF200;
	s4 =	smov.u32 @p1 s0;
	s0 =	sadd.s32 @p1 $0x10, s19;
	v10 =	vadd.f32 @p0 v11, v12;
	v57 =	vsub.f32 v55, v52;
	v16 =	vpop @p0 (erf);
	v58 =	vmul.f32 v54, v53  }
0x1ad: {  	s5 =	smov.u32 @p1 s0;
	s0 =	sadd.s32 @p1 $0x10, s2;
	s2 =	simm.s32 $0x10200;
	v11 =	vsub.f32 @p0 v15, v11;
	[tilespmem:v9+s4+$0x0 ss:$0x1] =	vst.idx.msk @p0 $0xffff, v16  }
0x1ae: {  	s2 =	smov.u32 @p1 s0;
	s0 =	sadd.s32 @p1 $0x10, s1;
	s1 =	simm.s32 $0x11200;
	v10 =	vsub.f32 @p0 v10, v13;
	v59 =	vmul.f32 $3.000000000e+00, v57;
	[tilespmem:v9+s5+$0x0 ss:$0x1] =	vst.idx.msk @p0 $0xffff, v12;
	v60 =	vadd.f32 v58, v58  }
0x1af: {  	s1 =	smov.u32 @p1 s0;
	s0 =	sadd.s32 @p0 $0x10, s3;
	[tilespmem:v9+s2+$0x0 ss:$0x1] =	vst.idx.msk @p0 $0xffff, v11;
	v11 =	vmul.f32 v56, v54  }
0x1b0: {  	s26 =	smov.u32 @p0 s0;
	s0 =	sadd.s32 @p0 $0x10, s4;
	[tilespmem:v9+s1+$0x0 ss:$0x1] =	vst.idx.msk @p0 $0xffff, v10;
	v10 =	vsub.f32 v59, v60  }
0x1b1: {  	v62 =	vadd.f32 v57, v57;
	[tilespmem:v9+s26+$0x0 ss:$0x1] =	vst.idx.msk $0xffff, v32;
	s25 =	smov.u32 @p0 s0;
	s0 =	sadd.s32 @p0 $0x10, s5;
	v61 =	vadd.f32 v11, v58;
	v63 =	vpop (erf)  }
0x1b2: {  	s24 =	smov.u32 @p0 s0;
	s0 =	sadd.s32 @p0 $0x10, s2;
	v10 =	vsub.f32 v10, v11;
	[tilespmem:v9+s25+$0x0 ss:$0x1] =	vst.idx.msk $0xffff, v63  }
0x1b3: {  	s23 =	smov.u32 @p0 s0;
	s0 =	sadd.s32 @p0 $0x10, s1;
	v11 =	vsub.f32 v61, v62;
	[tilespmem:v9+s24+$0x0 ss:$0x1] =	vst.idx.msk $0xffff, v58  }
0x1b4: {  	s22 =	smov.u32 @p0 s0;
	[tilespmem:v9+s23+$0x0 ss:$0x1] =	vst.idx.msk $0xffff, v10  }
0x1b5: {  	s6 =	simm.s32 $0x1;
	s19 =	rddreg [dreg:$0x0];
	s5 =	simm.s32 $0x0;
	[tilespmem:v9+s22+$0x0 ss:$0x1] =	vst.idx.msk $0xffff, v11  }
.LBB2_35:
0x1b6: {  	s1 =	sadd.s32 $0x2FFD0, s7  }
0x1b7: {  	v12 =	vadd.s32 s1, v7  }
0x1b8: {  	v14 =	vshrl.u32 v12, $0x14;
	v12 =	vand.u32 $0xFFFFF, v12  }
0x1b9: {  	v12 =	vadd.s32 v12, v14  }
0x1ba: {  	v9 =	vadd.s32 s7, v7;
	s0 =	sadd.s32 $0xFFF0, s7;
	vm2 =	vgt.u32 v12, $0xFFFFE  }
0x1bb: {  	s2 =	sadd.s32 $0x1FFE0, s7;
	v10 =	vshrl.u32 v9, $0x14;
	v11 =	vadd.s32 s0, v7;
	v17 =	vsel vm2, $0x1, v2  }
0x1bc: {  	v13 =	vadd.s32 s2, v7;
	v9 =	vand.u32 $0xFFFFF, v9;
	v14 =	vadd.s32 v17, v14  }
0x1bd: {  	v15 =	vshrl.u32 v11, $0x14;
	v11 =	vand.u32 $0xFFFFF, v11;
	v16 =	vshrl.u32 v13, $0x14  }
0x1be: {  	v13 =	vand.u32 $0xFFFFF, v13;
	v9 =	vadd.s32 v9, v10;
	v11 =	vadd.s32 v11, v15  }
0x1bf: {  	v13 =	vadd.s32 v13, v16;
	vm3 =	vgt.u32 v9, $0xFFFFE;
	v48 =	vadd.s32 $0xFFF00001, v9  }
0x1c0: {  	vm4 =	vgt.u32 v13, $0xFFFFE;
	v18 =	vsel vm3, $0x1, v2;
	v47 =	vadd.s32 $0xFFF00001, v11  }
0x1c1: {  	v49 =	vadd.s32 $0xFFF00001, v13;
	v9 =	vmin.u32 v48, v9;
	vm2 =	vgt.u32 v11, $0xFFFFE;
	v50 =	vld.idx.msk [tilespmem:v14+s12+$0x0], $0xffff  }
0x1c2: {  	v31 =	vadd.s32 $0xFFF00001, v12;
	v19 =	vsel vm4, $0x1, v2;
	v46 =	vsel vm2, $0x1, v2  }
0x1c3: {  	v10 =	vadd.s32 v18, v10;
	v11 =	vmin.u32 v47, v11;
	v15 =	vadd.s32 v46, v15  }
0x1c4: {  	v13 =	vmin.u32 v49, v13;
	v9 =	vcvt.s32.f32 v9;
	v12 =	vmin.u32 v31, v12  }
0x1c5: {  	v16 =	vadd.s32 v19, v16;
	v11 =	vcvt.s32.f32 v11;
	v13 =	vcvt.s32.f32 v13  }
0x1c6: {  	v20 =	vcvt.s32.f32 v10;
	v12 =	vcvt.s32.f32 v12;
	vm2 =	vgt.s32 v50, $0x0  }
0x1c7: {  	v52 =	vcvt.s32.f32 v16;
	v9 =	vmul.f32 v9, v5;
	v17 =	vnsel vm2, $0x0, v50  }
0x1c8: {  	v51 =	vcvt.s32.f32 v15;
	v11 =	vmul.f32 v11, v5;
	v15 =	vld.idx.msk [tilespmem:v15+s12+$0x0], $0xffff;
	vm2 =	vlt.s32 v8, v17  }
0x1c9: {  	v13 =	vmul.f32 v13, v5;
	v23 =	vadd.f32 v20, v9;
	v17 =	vsel vm2, v8, v17  }
0x1ca: {  	vm1 =	vmmov vm0;
	v12 =	vmul.f32 v12, v5;
	v10 =	vld.idx.msk [tilespmem:v10+s12+$0x0], $0xffff;
	v21 =	vadd.f32 v51, v11  }
0x1cb: {  	p0 =	sgt.s32 s21, $0x1;
	v22 =	vadd.f32 v52, v13;
	v16 =	vld.idx.msk [tilespmem:v16+s12+$0x0], $0xffff;
	v26 =	vtrunc.f32 v23;
	v14 =	vcvt.s32.f32 v14  }
0x1cc: {  	vm1 =	vmneg @p0 vm1;
	v24 =	vtrunc.f32 v21;
	v26 =	vcvt.f32.s32 v26  }
0x1cd: {  	v25 =	vtrunc.f32 v22;
	v24 =	vcvt.f32.s32 v24;
	vm3 =	vgt.s32 v15, $0x0  }
0x1ce: {  	v25 =	vcvt.f32.s32 v25;
	v32 =	vcvt.s32.f32 v26;
	v15 =	vnsel vm3, $0x0, v15;
	v28 =	vld.idx.msk [tilespmem:v17+s10+$0x0], $0xffff  }
0x1cf: {  	v54 =	vand.u32 $0x1, v26;
	vm3 =	vgt.s32 v10, $0x0;
	vm4 =	vlt.s32 v8, v15;
	v55 =	vld.idx.msk [tilespmem:v17+s18+$0x0], $0xffff  }
0x1d0: {  	vm2 =	vgt.s32 v16, $0x0;
	v10 =	vnsel vm3, $0x0, v10;
	v15 =	vsel vm4, v8, v15;
	v56 =	vld.idx.msk [tilespmem:v17+s17+$0x0], $0xffff  }
0x1d1: {  	v27 =	vcvt.s32.f32 v24;
	v16 =	vnsel vm2, $0x0, v16;
	vm3 =	vlt.s32 v8, v10;
	v57 =	vld.idx.msk [tilespmem:v17+s16+$0x0], $0xffff  }
0x1d2: {  	v29 =	vcvt.s32.f32 v25;
	vm2 =	vlt.s32 v8, v16;
	v10 =	vsel vm3, v8, v10;
	v63 =	vld.idx.msk [tilespmem:v17+s15+$0x0], $0xffff  }
0x1d3: {  	v30 =	vand.u32 $0x1, v24;
	v23 =	vsub.f32 v23, v32;
	v16 =	vsel vm2, v8, v16;
	v42 =	vld.idx.msk [tilespmem:v17+s11+$0x0], $0xffff  }
0x1d4: {  	v53 =	vand.u32 $0x1, v25;
	v21 =	vsub.f32 v21, v27;
	v22 =	vsub.f32 v22, v29;
	v17 =	vld.idx.msk [tilespmem:v17+s14+$0x0], $0xffff  }
0x1d5: {  	vm6 =	veq.s32 v54, $0x1;
	vm5 =	veq.s32 v30, $0x1;
	vm7 =	veq.s32 v53, $0x1;
	v27 =	vld.idx.msk [tilespmem:v15+s10+$0x0], $0xffff  }
0x1d6: {  	vm4 =	veq.f32 v23, $5.000000000e-01;
	vm3 =	veq.f32 v22, $5.000000000e-01;
	vm2 =	veq.f32 v21, $5.000000000e-01;
	v58 =	vld.idx.msk [tilespmem:v15+s18+$0x0], $0xffff  }
0x1d7: {  	vm3 =	vmand vm3, vm7;
	vm7 =	vgt.f32 v23, $5.000000000e-01;
	vm5 =	vmand vm2, vm5;
	v31 =	vld.idx.msk [tilespmem:v10+s10+$0x0], $0xffff  }
0x1d8: {  	vm2 =	vmand vm4, vm6;
	vm4 =	vgt.f32 v21, $5.000000000e-01;
	vm6 =	vgt.f32 v22, $5.000000000e-01;
	v33 =	vld.idx.msk [tilespmem:v16+s10+$0x0], $0xffff  }
0x1d9: {  	vm4 =	vmor vm4, vm5;
	v37 =	vld.idx.msk [tilespmem:v15+s17+$0x0], $0xffff;
	v34 =	vsub.f32 v14, v28;
	v14 =	vadd.f32 v14, v12  }
0x1da: {  	vm3 =	vmor vm6, vm3;
	vm2 =	vmor vm7, vm2;
	v43 =	vld.idx.msk [tilespmem:v15+s16+$0x0], $0xffff;
	v18 =	vsub.f32 v51, v27  }
0x1db: {  	v61 =	vld.idx.msk [tilespmem:v10+s18+$0x0], $0xffff;
	v51 =	vsel vm4, $0x1, v2;
	v12 =	vadd.f32 v34, v12;
	v35 =	vtrunc.f32 v14  }
0x1dc: {  	v59 =	vld.idx.msk [tilespmem:v16+s18+$0x0], $0xffff;
	v20 =	vsub.f32 v20, v31;
	v24 =	vadd.s32 v24, v51;
	v60 =	vcvt.f32.s32 v35  }
0x1dd: {  	v50 =	vld.idx.msk [tilespmem:v15+s15+$0x0], $0xffff;
	v11 =	vadd.f32 v18, v11;
	v19 =	vsub.f32 v52, v33;
	v52 =	vsel vm2, $0x1, v2  }
0x1de: {  	v40 =	vld.idx.msk [tilespmem:v10+s17+$0x0], $0xffff;
	v12 =	vmul.f32 v55, v12;
	v9 =	vadd.f32 v20, v9;
	v36 =	vcvt.s32.f32 v60  }
0x1df: {  	v39 =	vld.idx.msk [tilespmem:v16+s17+$0x0], $0xffff;
	v13 =	vadd.f32 v19, v13;
	v11 =	vmul.f32 v58, v11;
	v41 =	vand.u32 $0x1, v60  }
0x1e0: {  	v48 =	vld.idx.msk [tilespmem:v10+s16+$0x0], $0xffff;
	v62 =	vmul.f32 v12, v56;
	vm6 =	veq.s32 v41, $0x1;
	v9 =	vmul.f32 v61, v9  }
0x1e1: {  	v46 =	vld.idx.msk [tilespmem:v16+s16+$0x0], $0xffff;
	v61 =	vcvt.s32.f32 v24;
	v14 =	vsub.f32 v14, v36;
	v13 =	vmul.f32 v59, v13  }
0x1e2: {  	v55 =	vld.idx.msk [tilespmem:v15+s11+$0x0], $0xffff;
	v45 =	vmul.f32 v11, v37;
	v36 =	vsel vm3, $0x1, v2;
	v38 =	vadd.f32 v62, v57  }
0x1e3: {  	v15 =	vld.idx.msk [tilespmem:v15+s14+$0x0], $0xffff;
	v20 =	vmul.f32 v9, v40;
	v58 =	vadd.s32 v25, v36;
	vm5 =	veq.f32 v14, $5.000000000e-01  }
0x1e4: {  	v54 =	vld.idx.msk [tilespmem:v10+s15+$0x0], $0xffff;
	vm8 =	vgt.f32 v14, $5.000000000e-01;
	v22 =	vmul.f32 v13, v39;
	v14 =	vadd.f32 v45, v43  }
0x1e5: {  	v53 =	vld.idx.msk [tilespmem:v16+s15+$0x0], $0xffff;
	v19 =	vmul.f32 v38, v12;
	vm5 =	vmand vm5, vm6;
	v20 =	vadd.f32 v20, v48  }
0x1e6: {  	v57 =	vld.idx.msk [tilespmem:v16+s11+$0x0], $0xffff;
	vm5 =	vmor vm8, vm5;
	v56 =	vadd.f32 v22, v46;
	v14 =	vmul.f32 v14, v11  }
0x1e7: {  	v16 =	vld.idx.msk [tilespmem:v16+s14+$0x0], $0xffff;
	v44 =	vadd.f32 v19, v63;
	v47 =	vsel vm5, $0x1, v2;
	v20 =	vmul.f32 v20, v9  }
0x1e8: {  	v63 =	vcvt.s32.f32 v58;
	vm5 =	veq.f32 v15, v61;
	v49 =	vadd.s32 v60, v47  }
0x1e9: {  	v59 =	vld.idx.msk [tilespmem:v10+s11+$0x0], $0xffff;
	v60 =	vadd.s32 v26, v52;
	v14 =	vadd.f32 v14, v50;
	v18 =	vcvt.s32.f32 v49  }
0x1ea: {  	v62 =	vld.idx.msk [tilespmem:v10+s14+$0x0], $0xffff;
	v12 =	vmul.f32 v44, v12;
	v25 =	vcvt.s32.f32 v60;
	v10 =	vadd.f32 v20, v54  }
0x1eb: {  	vm2 =	veq.f32 v28, v18;
	vm3 =	veq.f32 v17, v18;
	v18 =	vmul.f32 v56, v13  }
0x1ec: {  	vm7 =	veq.f32 v33, v63;
	vm8 =	veq.f32 v16, v63;
	v12 =	vadd.f32 v12, v42  }
0x1ed: {  	v11 =	vmul.f32 v14, v11;
	vm7 =	vmor vm7, vm8;
	v18 =	vadd.f32 v18, v53  }
0x1ee: {  	v9 =	vmul.f32 v10, v9;
	vm2 =	vmor vm2, vm3;
	vm3 =	vgt.f32 v12, $0.0e+00  }
0x1ef: {  	vm9 =	veq.f32 v62, v25;
	vm2 =	vmand vm2, vm3;
	v13 =	vmul.f32 v18, v13  }
0x1f0: {  	v10 =	vadd.f32 v11, v55;
	v9 =	vadd.f32 v9, v59;
	vm2 =	vmand vm1, vm2  }
0x1f1: {  	v12 =	vnsel vm2, $0x0, v12;
	vm2 =	veq.f32 v27, v61;
	v11 =	vadd.f32 v13, v57  }
0x1f2: {  	s21 =	simm.s32 $0x5220;
	vm3 =	veq.f32 v31, v25;
	vm4 =	vgt.f32 v10, $0.0e+00;
	vm5 =	vmor vm2, vm5  }
0x1f3: {  	s22 =	simm.s32 $0x0;
	s23 =	sadd.s32 $0x3FFC0, s7;
	[tilespmem:s21+$0x10] =	vst v12;
	vm2 =	vmor vm3, vm9;
	vm3 =	vgt.f32 v9, $0.0e+00;
	vm6 =	vgt.f32 v11, $0.0e+00  }
.LBB2_36:
0x1f4: {  	v12 =	vadd.s32 s23, v7;
	s0 =	sadd.s32 $0xFFF0, s23;
	s1 =	sadd.s32 $0x2FFD0, s23;
	s22 =	sadd.s32 $0x4, s22;
	vm5 =	vmand vm5, vm4;
	vm4 =	vmand vm7, vm6  }
0x1f5: {  	v13 =	vshrl.u32 v12, $0x14;
	v14 =	vadd.s32 s0, v7;
	s0 =	sadd.s32 $0x1FFE0, s23;
	v15 =	vadd.s32 s1, v7;
	p0 =	slt.u32 s22, $0x7FC  }
0x1f6: {  	v16 =	vadd.s32 s0, v7;
	v17 =	vshrl.u32 v15, $0x14;
	v15 =	vand.u32 $0xFFFFF, v15  }
0x1f7: {  	v18 =	vshrl.u32 v14, $0x14;
	v14 =	vand.u32 $0xFFFFF, v14;
	v19 =	vadd.s32 v15, v17  }
0x1f8: {  	v15 =	vshrl.u32 v16, $0x14;
	v16 =	vand.u32 $0xFFFFF, v16;
	vm6 =	vgt.u32 v19, $0xFFFFE  }
0x1f9: {  	v12 =	vand.u32 $0xFFFFF, v12;
	v14 =	vadd.s32 v14, v18;
	v20 =	vsel vm6, $0x1, v2  }
0x1fa: {  	v12 =	vadd.s32 v12, v13;
	v16 =	vadd.s32 v16, v15;
	v17 =	vadd.s32 v20, v17  }
0x1fb: {  	vm7 =	vgt.u32 v14, $0xFFFFE;
	vm6 =	vgt.u32 v12, $0xFFFFE;
	vm8 =	vgt.u32 v16, $0xFFFFE  }
0x1fc: {  	v21 =	vsel vm7, $0x1, v2;
	v20 =	vsel vm6, $0x1, v2;
	v22 =	vsel vm8, $0x1, v2  }
0x1fd: {  	v18 =	vadd.s32 v21, v18;
	v13 =	vadd.s32 v20, v13;
	v15 =	vadd.s32 v22, v15  }
0x1fe: {  	v21 =	vadd.s32 $0xFFF00001, v14;
	v20 =	vadd.s32 $0xFFF00001, v12;
	v22 =	vadd.s32 $0xFFF00001, v16  }
0x1ff: {  	v14 =	vmin.u32 v21, v14;
	v12 =	vmin.u32 v20, v12;
	v16 =	vmin.u32 v22, v16;
	v20 =	vld.idx.msk [tilespmem:v17+s12+$0x0], $0xffff  }
0x200: {  	vm2 =	vmand vm2, vm3;
	v14 =	vcvt.s32.f32 v14;
	v16 =	vcvt.s32.f32 v16  }
0x201: {  	vm3 =	vmand vm1, vm5;
	v21 =	vcvt.s32.f32 v18;
	v12 =	vcvt.s32.f32 v12  }
0x202: {  	vm4 =	vmand vm1, vm4;
	v22 =	vcvt.s32.f32 v13;
	v23 =	vcvt.s32.f32 v15;
	v18 =	vld.idx.msk [tilespmem:v18+s12+$0x0], $0xffff  }
0x203: {  	vm2 =	vmand vm1, vm2;
	v24 =	vmul.f32 v14, v5;
	v16 =	vmul.f32 v16, v5;
	v14 =	vld.idx.msk [tilespmem:v15+s12+$0x0], $0xffff  }
0x204: {  	v10 =	vnsel vm3, $0x0, v10;
	v11 =	vnsel vm4, $0x0, v11;
	v25 =	vmul.f32 v12, v5;
	v12 =	vld.idx.msk [tilespmem:v13+s12+$0x0], $0xffff  }
0x205: {  	v26 =	vadd.f32 v21, v24;
	v27 =	vadd.f32 v23, v16;
	vm3 =	vgt.s32 v20, $0x0;
	[tilespmem:s21+$0xFFFFFFF0] =	vst v10  }
0x206: {  	v9 =	vnsel vm2, $0x0, v9;
	v28 =	vadd.f32 v22, v25;
	v10 =	vnsel vm3, $0x0, v20;
	[tilespmem:s21+$0x0] =	vst v11  }
0x207: {  	v13 =	vtrunc.f32 v27;
	v11 =	vtrunc.f32 v26;
	vm2 =	vlt.s32 v8, v10;
	[tilespmem:s21+$0xFFFFFFE0] =	vst v9  }
0x208: {  	v20 =	vtrunc.f32 v28;
	vm3 =	vgt.s32 v18, $0x0;
	v29 =	vsel vm2, v8, v10  }
0x209: {  	v15 =	vcvt.f32.s32 v11;
	v9 =	vnsel vm3, $0x0, v18;
	vm2 =	vgt.s32 v14, $0x0  }
0x20a: {  	vm3 =	vgt.s32 v12, $0x0;
	vm4 =	vlt.s32 v8, v9;
	v10 =	vnsel vm2, $0x0, v14  }
0x20b: {  	v12 =	vnsel vm3, $0x0, v12;
	v11 =	vsel vm4, v8, v9;
	vm2 =	vlt.s32 v8, v10  }
0x20c: {  	v18 =	vcvt.f32.s32 v13;
	vm3 =	vlt.s32 v8, v12;
	v10 =	vsel vm2, v8, v10  }
0x20d: {  	v13 =	vcvt.f32.s32 v20;
	v9 =	vsel vm3, v8, v12;
	v12 =	vcvt.s32.f32 v15;
	v20 =	vld.idx.msk [tilespmem:v29+s10+$0x0], $0xffff  }
0x20e: {  	v31 =	vadd.s32 $0xFFF00001, v19;
	v30 =	vand.u32 $0x1, v15;
	v14 =	vcvt.s32.f32 v18  }
0x20f: {  	v19 =	vmin.u32 v31, v19;
	v32 =	vcvt.s32.f32 v13;
	v26 =	vsub.f32 v26, v12  }
0x210: {  	v19 =	vcvt.s32.f32 v19;
	v31 =	vand.u32 $0x1, v18;
	v27 =	vsub.f32 v27, v14;
	v12 =	vld.idx.msk [tilespmem:v11+s10+$0x0], $0xffff  }
0x211: {  	v17 =	vcvt.s32.f32 v17;
	v28 =	vsub.f32 v28, v32;
	v32 =	vand.u32 $0x1, v13;
	v33 =	vld.idx.msk [tilespmem:v29+s18+$0x0], $0xffff  }
0x212: {  	v19 =	vmul.f32 v19, v5;
	vm3 =	veq.f32 v27, $5.000000000e-01;
	vm2 =	veq.f32 v26, $5.000000000e-01;
	v14 =	vld.idx.msk [tilespmem:v10+s10+$0x0], $0xffff  }
0x213: {  	vm5 =	veq.s32 v30, $0x1;
	vm4 =	veq.f32 v28, $5.000000000e-01;
	v34 =	vsub.f32 v17, v20;
	v30 =	vld.idx.msk [tilespmem:v29+s17+$0x0], $0xffff  }
0x214: {  	vm7 =	veq.s32 v31, $0x1;
	vm6 =	veq.s32 v32, $0x1;
	v17 =	vadd.f32 v17, v19;
	v35 =	vld.idx.msk [tilespmem:v9+s10+$0x0], $0xffff  }
0x215: {  	vm3 =	vmand vm3, vm7;
	vm8 =	vmand vm2, vm5;
	v19 =	vadd.f32 v34, v19;
	v31 =	vld.idx.msk [tilespmem:v29+s16+$0x0], $0xffff  }
0x216: {  	vm2 =	vmand vm4, vm6;
	v34 =	vtrunc.f32 v17;
	v21 =	vsub.f32 v21, v12;
	v32 =	vld.idx.msk [tilespmem:v11+s18+$0x0], $0xffff  }
0x217: {  	vm4 =	vgt.f32 v26, $5.000000000e-01;
	v19 =	vmul.f32 v33, v19;
	v33 =	vcvt.f32.s32 v34;
	v26 =	vld.idx.msk [tilespmem:v10+s18+$0x0], $0xffff  }
0x218: {  	vm6 =	vgt.f32 v27, $5.000000000e-01;
	v21 =	vadd.f32 v21, v24;
	v23 =	vsub.f32 v23, v14;
	v34 =	vld.idx.msk [tilespmem:v9+s18+$0x0], $0xffff  }
0x219: {  	vm5 =	vgt.f32 v28, $5.000000000e-01;
	v27 =	vmul.f32 v19, v30;
	v28 =	vcvt.s32.f32 v33;
	v24 =	vld.idx.msk [tilespmem:v29+s15+$0x0], $0xffff  }
0x21a: {  	vm4 =	vmor vm4, vm8;
	v22 =	vsub.f32 v22, v35;
	v16 =	vadd.f32 v23, v16;
	v30 =	vld.idx.msk [tilespmem:v11+s17+$0x0], $0xffff  }
0x21b: {  	vm3 =	vmor vm6, vm3;
	v27 =	vadd.f32 v27, v31;
	v17 =	vsub.f32 v17, v28;
	v23 =	vld.idx.msk [tilespmem:v10+s17+$0x0], $0xffff  }
0x21c: {  	v22 =	vadd.f32 v22, v25;
	v21 =	vmul.f32 v32, v21;
	v25 =	vand.u32 $0x1, v33;
	v28 =	vld.idx.msk [tilespmem:v9+s17+$0x0], $0xffff  }
0x21d: {  	v27 =	vmul.f32 v27, v19;
	vm6 =	veq.f32 v17, $5.000000000e-01;
	vm7 =	veq.s32 v25, $0x1;
	v31 =	vld.idx.msk [tilespmem:v29+s11+$0x0], $0xffff  }
0x21e: {  	v16 =	vmul.f32 v26, v16;
	vm8 =	vgt.f32 v17, $5.000000000e-01;
	vm6 =	vmand vm6, vm7;
	v25 =	vld.idx.msk [tilespmem:v29+s14+$0x0], $0xffff  }
0x21f: {  	v17 =	vmul.f32 v34, v22;
	v24 =	vadd.f32 v27, v24;
	vm6 =	vmor vm8, vm6;
	v22 =	vld.idx.msk [tilespmem:v11+s16+$0x0], $0xffff  }
0x220: {  	vm2 =	vmor vm5, vm2;
	v26 =	vmul.f32 v21, v30;
	v29 =	vsel vm6, $0x1, v2;
	v27 =	vld.idx.msk [tilespmem:v10+s16+$0x0], $0xffff  }
0x221: {  	v23 =	vmul.f32 v16, v23;
	v19 =	vmul.f32 v24, v19;
	v24 =	vadd.s32 v33, v29;
	v30 =	vld.idx.msk [tilespmem:v9+s16+$0x0], $0xffff  }
0x222: {  	v32 =	vsel vm4, $0x1, v2;
	v28 =	vmul.f32 v17, v28;
	v24 =	vcvt.s32.f32 v24;
	v29 =	vld.idx.msk [tilespmem:v11+s15+$0x0], $0xffff  }
0x223: {  	v36 =	vsel vm3, $0x1, v2;
	v33 =	vsel vm2, $0x1, v2;
	v19 =	vadd.f32 v19, v31;
	v34 =	vld.idx.msk [tilespmem:v10+s15+$0x0], $0xffff  }
0x224: {  	v15 =	vadd.s32 v15, v32;
	vm2 =	veq.f32 v20, v24;
	vm3 =	veq.f32 v25, v24;
	v31 =	vld.idx.msk [tilespmem:v9+s15+$0x0], $0xffff  }
0x225: {  	v22 =	vadd.f32 v26, v22;
	vm2 =	vmor vm2, vm3;
	vm3 =	vgt.f32 v19, $0.0e+00;
	v20 =	vld.idx.msk [tilespmem:v11+s11+$0x0], $0xffff  }
0x226: {  	v18 =	vadd.s32 v18, v36;
	v23 =	vadd.f32 v23, v27;
	vm2 =	vmand vm2, vm3;
	v24 =	vld.idx.msk [tilespmem:v10+s11+$0x0], $0xffff  }
0x227: {  	v26 =	vadd.f32 v28, v30;
	v22 =	vmul.f32 v22, v21;
	vm2 =	vmand vm1, vm2;
	v25 =	vld.idx.msk [tilespmem:v9+s11+$0x0], $0xffff  }
0x228: {  	s21 =	sadd.s32 $0x40, s21;
	v13 =	vadd.s32 v13, v33;
	v23 =	vmul.f32 v23, v16;
	v19 =	vnsel vm2, $0x0, v19;
	v11 =	vld.idx.msk [tilespmem:v11+s14+$0x0], $0xffff  }
0x229: {  	v15 =	vcvt.s32.f32 v15;
	v26 =	vmul.f32 v26, v17;
	v22 =	vadd.f32 v22, v29;
	v27 =	vld.idx.msk [tilespmem:v10+s14+$0x0], $0xffff;
	[tilespmem:s21+$0x10] =	vst v19  }
0x22a: {  	v18 =	vcvt.s32.f32 v18;
	v13 =	vcvt.s32.f32 v13;
	v19 =	vld.idx.msk [tilespmem:v9+s14+$0x0], $0xffff;
	v9 =	vadd.f32 v23, v34  }
0x22b: {  	vm2 =	veq.f32 v12, v15;
	v10 =	vadd.f32 v26, v31;
	v21 =	vmul.f32 v22, v21  }
0x22c: {  	vm7 =	veq.f32 v14, v18;
	vm3 =	veq.f32 v35, v13;
	v9 =	vmul.f32 v9, v16  }
.Ltmp17:
0x22d: {  	v12 =	vmul.f32 v10, v17;
	v10 =	vadd.f32 v21, v20;
	(pc) =	sbr.rel @p0 .LBB2_36-.Ltmp17, $4  }
0x22e: {  	vm5 =	veq.f32 v11, v15;
	v11 =	vadd.f32 v9, v24  }
0x22f: {  	v9 =	vadd.f32 v12, v25;
	vm4 =	vgt.f32 v10, $0.0e+00;
	vm8 =	veq.f32 v27, v18  }
0x230: {  	vm5 =	vmor vm2, vm5;
	vm9 =	veq.f32 v19, v13;
	vm6 =	vgt.f32 v11, $0.0e+00  }
0x231: {  	s23 =	sadd.s32 $0x3FFC0, s23;
	vm7 =	vmor vm7, vm8;
	vm2 =	vmor vm3, vm9;
	vm3 =	vgt.f32 v9, $0.0e+00  }
0x232: {  	vm4 =	vmand vm5, vm4  }
0x233: {  	vm15 =	vmand vm7, vm6;
	vm4 =	vmand vm1, vm4  }
0x234: {  	vm2 =	vmand vm2, vm3;
	vm3 =	vmand vm1, vm15;
	v8 =	vnsel vm4, $0x0, v10  }
0x235: {  	vm1 =	vmand vm1, vm2;
	v63 =	vnsel vm3, $0x0, v11;
	[tilespmem:s21+$0xFFFFFFF0] =	vst v8  }
0x236: {  	v8 =	vnsel vm1, $0x0, v9;
	[tilespmem:s21+$0x0] =	vst v63  }
0x237: {  	[tilespmem:s21+$0xFFFFFFE0] =	vst v8  }
0x238: {  	s1 =	simm.s32 $0x5200;
	s0 =	rddreg [dreg:$0x3]  }
0x239: {  	[hbm4b:s0+s5] =	stream.linear.scatter [tilespmem:s1], [sflag:$0x1], $0x8000, $0x38;
	[tilespmem:$0x12200] =	vst v63  }
0x23a: {  	_ =	swait.ge [sflag:s6], $0x8000  }
0x23b: {  	s20 =	sadd.s32 $0x1, s20;
	s31 =	rddreg [dreg:$0x4]  }
0x23c: {  	p0 =	sne.s32 s20, s31  }
.Ltmp18:
0x23d: {  	_ = 	snop;
	(pc) =	sbr.rel @p0 .LBB2_1-.Ltmp18, $4  }
.Ltmp19:
0x23e: {  	_ = 	snop;
	(pc) =	sbr.rel @!p0 .LBB2_38-.Ltmp19, $4  }
0x23f: {  	_ = 	snop  }
0x240: {  	[sflag:s6] =	ssyncset.done $0x0  }
0x241: {  	[sflag:s6] =	ssyncadd.s32 $0xFFFF8000  }
0x242: {  	_ = 	snop  }
.LBB2_9:
.Ltmp20:
0x243: {  	_ = 	snop;
	(pc) =	sbr.rel .LBB2_22-.Ltmp20, $2  }
0x244: {  	_ =	sdelay $0x2  }
0x245: {  	s30 =	smov.u32 s26;
	s29 =	smov.u32 s28;
	v20 =	vmov v9;
	v13 =	vmov v39  }
.LBB2_25:
.Ltmp21:
0x246: {  	(pc) =	sbr.rel .LBB2_34-.Ltmp21, $4  }
0x247: {  	_ = 	snop  }
0x248: {  	s0 =	simm.s32 $0xD200  }
0x249: {  	s2 =	simm.s32 $0xE200;
	s19 =	simm.s32 $0xF200;
	s31 =	simm.s32 $0x2000  }
0x24a: {  	v18 =	vmov v15;
	s5 =	simm.s32 $0x10200;
	s1 =	simm.s32 $0x3000;
	s6 =	simm.s32 $0x11200  }
.LBB2_11:
.Ltmp22:
0x24b: {  	(pc) =	sbr.rel .LBB2_22-.Ltmp22, $2  }
0x24c: {  	_ =	sdelay $0x2  }
0x24d: {  	s30 =	smov.u32 s26;
	s29 =	smov.u32 s28  }
.LBB2_27:
.Ltmp23:
0x24e: {  	(pc) =	sbr.rel .LBB2_34-.Ltmp23, $4  }
0x24f: {  	_ = 	snop  }
0x250: {  	s0 =	simm.s32 $0xD200  }
0x251: {  	s2 =	simm.s32 $0xE200;
	s19 =	simm.s32 $0xF200;
	s31 =	simm.s32 $0x2000  }
0x252: {  	v12 =	vmov v10;
	v18 =	vmov v24;
	s5 =	simm.s32 $0x10200;
	s1 =	simm.s32 $0x3000;
	s6 =	simm.s32 $0x11200;
	v22 =	vmov v11  }
.LBB2_13:
.Ltmp24:
0x253: {  	(pc) =	sbr.rel .LBB2_22-.Ltmp24, $2  }
0x254: {  	_ =	sdelay $0x2  }
0x255: {  	v16 =	vmovc v11;
	v17 =	vmovc v12;
	v39 =	vmov v13;
	s30 =	smov.u32 s26;
	v20 =	vmov v19;
	v13 =	vmov v33  }
.LBB2_29:
.Ltmp25:
0x256: {  	(pc) =	sbr.rel .LBB2_34-.Ltmp25, $3  }
0x257: {  	_ =	sdelay $0x1  }
0x258: {  	v18 =	vmovc v15;
	s0 =	simm.s32 $0xD200;
	s2 =	simm.s32 $0xE200;
	v26 =	vmovc v11;
	v15 =	vmov v24;
	v31 =	vmov v10;
	v24 =	vmov v16  }
0x259: {  	v27 =	vmovc v17;
	s19 =	simm.s32 $0xF200;
	s5 =	simm.s32 $0x10200;
	s6 =	simm.s32 $0x11200;
	v25 =	vmovc v14;
	v28 =	vmov v20;
	v29 =	vmov v21;
	v23 =	vmov v32  }
.LBB2_15:
.Ltmp26:
0x25a: {  	(pc) =	sbr.rel .LBB2_22-.Ltmp26, $3  }
0x25b: {  	_ =	sdelay $0x1  }
0x25c: {  	v16 =	vmov v27;
	v17 =	vmov v28;
	vm6 =	vmmov vm1  }
0x25d: {  	s30 =	smov.u32 s26;
	v22 =	vmovc v9;
	v39 =	vmovc v33;
	v43 =	vmov v11;
	v13 =	vmov v42;
	v42 =	vmov v12  }
.LBB2_31:
.Ltmp27:
0x25e: {  	(pc) =	sbr.rel .LBB2_34-.Ltmp27, $3  }
0x25f: {  	_ =	sdelay $0x1  }
0x260: {  	s0 =	simm.s32 $0xD200;
	s2 =	simm.s32 $0xE200  }
0x261: {  	v26 =	vmovc v22;
	v31 =	vmov v12;
	v22 =	vmov v32;
	s19 =	simm.s32 $0xF200;
	v12 =	vmov v30;
	s5 =	simm.s32 $0x10200;
	s6 =	simm.s32 $0x11200  }
.LBB2_17:
.Ltmp28:
0x262: {  	(pc) =	sbr.rel .LBB2_22-.Ltmp28, $4  }
0x263: {  	_ = 	snop  }
0x264: {  	v41 =	vmovc v37;
	v24 =	vmovc v30;
	v40 =	vmov v35;
	v38 =	vmov v33;
	vm3 =	vmmov vm2  }
0x265: {  	vm6 =	vmmov vm4;
	v29 =	vmovc v36;
	v25 =	vmovc v9;
	v22 =	vmov v19;
	v16 =	vmov v23  }
0x266: {  	s30 =	smov.u32 s26;
	v17 =	vmovc v26;
	v20 =	vmovc v39;
	v39 =	vmov v42;
	v43 =	vmov v27;
	v42 =	vmov v28  }
.LBB2_19:
.Ltmp29:
0x267: {  	(pc) =	sbr.rel .LBB2_22-.Ltmp29, $3  }
0x268: {  	_ =	sdelay $0x1  }
0x269: {  	v39 =	vmov v13  }
0x26a: {  	s30 =	smov.u32 s26;
	v34 =	vmovc v9;
	v25 =	vmovc v19;
	s31 =	smov.u32 s26;
	v43 =	vmov v23;
	v42 =	vmov v26;
	v13 =	vmov v44  }
.LBB2_38:
0x26b: {  	_ =	sfence.sel $0x180000  }
0x26c: {  	[bflag:$0x0] =	sbarrier.arrive $0xFFFF  }
0x26d: {  	_ =	strace $0x90000047  }
0x26e: {  	s0 =	stileid.u32;
	[bflag:$0x2] =	sbarrier.arrive $0xFFFF  }
0x26f: {  	p0 =	sne.s32 s0, $0x0;
	s0 =	rddreg [dreg:$0x2]  }
0x270: {  	s0 =	sadd.s32 @!p0 $0x100000, s0  }
0x271: {  	[sflag:s0] =	ssyncadd.tile.s32 @!p0 $0x1;
	_ =	shalt  }
.Lfunc_end2:
_tile_overlayer_lowered:
.L_overlay_start_2:
0x272: {  	(tag) =	ssettag $0x2  }
0x273: {  	s0 =	rddreg [dreg:$0x0];
	s2 =	stileid.u32  }
0x274: {  	s1 =	rddreg [dreg:$0x1];
	p0 =	sne.s32 s2, $0x0  }
0x275: {  	s3 =	rddreg [dreg:$0x2];
	[bflag:$0x3] =	sbarrier.arrive $0xFFFF;
	s2 =	simm.s32 @!p0 $0x1C01  }
0x276: {  	[timem:s3], [sflag:s2] =	dma.local @!p0 [hbm:s0], s1  }
0x277: {  	s0 =	simm.s32 @!p0 $0x1  }
0x278: {  	_ =	swait.ge @!p0 [sflag:s0], s1  }
0x279: {  	s1 =	ssub.s32 @!p0 $0x0, s1;
	[sflag:s0] =	ssyncset.done @!p0 $0x0  }
0x27a: {  	[sflag:s0] =	ssyncadd.s32 @!p0 s1  }
0x27b: {  	[bflag:$0x3] =	sbarrier.arrive $0xFFFF  }
0x27c: {  	_ =	shalt  }

</sc_bundles>
